<compile_context>
chip_gen: v7x
topology: tpu7x:2x2x1
jax: 0.10.2.dev20260603
libtpu: 0.0.44.dev20260713+nightly
codegen_flags: <defaults>
</compile_context>

<pallas_src>
import functools

import numpy as np

import jax
import jax.numpy as jnp
from jax import lax
from jax.experimental import pallas as pl
from jax.experimental.pallas import tpu as pltpu
from jax.experimental.pallas import tpu_sc as plsc

N = 10000
E = 320000
D = 128
H = 128
K = 2

NC = 2
NS = 16
NW = NC * NS
CH = 128
NCHUNK = 80
EPW = NCHUNK * CH
E_PAD = NW * EPW
N_PAD = 10240
ZROWS = N_PAD // NS
R = 2000

_PAD_EDGES = np.stack([
    np.arange(E_PAD - E, dtype=np.int32) % N,
    N + np.arange(E_PAD - E, dtype=np.int32) % (N_PAD - N),
])


def _seg_sum(table, edges3):
    mesh = plsc.VectorSubcoreMesh(core_axis_name="c", subcore_axis_name="s")

    @functools.partial(
        pl.kernel,
        mesh=mesh,
        out_type=jax.ShapeDtypeStruct((NC, N_PAD, H), jnp.float32),
        scratch_types=[
            pltpu.VMEM((NCHUNK // 2, CH), jnp.int32),
            pltpu.VMEM((NCHUNK // 2, CH), jnp.int32),
            pltpu.VMEM((CH, H), jnp.float32),
            pltpu.VMEM((CH, H), jnp.float32),
            pltpu.VMEM_SHARED((N_PAD, H), jnp.float32),
            pltpu.SemaphoreType.DMA,
            pltpu.SemaphoreType.DMA,
        ],
    )
    def k(table_hbm, e_hbm, out_hbm, sidx, didx, rows0,
          rows1, agg, sem0, sem1):
        cid = lax.axis_index("c")
        sid = lax.axis_index("s")
        wid = sid * NC + cid

        @pl.loop(0, CH)
        def _(i):
            @pl.loop(0, H, step=16)
            def _(l):
                rows0[i, pl.ds(l, 16)] = jnp.zeros((16,), jnp.float32)

        HC = NCHUNK // 2
        for t in range(ZROWS // CH):
            pltpu.async_copy(rows0, agg.at[pl.ds(sid * ZROWS + t * CH, CH)],
                             sem0)
        pltpu.async_copy(e_hbm.at[0, pl.ds(wid * NCHUNK, HC)], sidx, sem1)
        pltpu.async_copy(e_hbm.at[1, pl.ds(wid * NCHUNK, HC)], didx, sem1)
        for t in range(ZROWS // CH):
            pltpu.make_async_copy(rows0, agg.at[pl.ds(0, CH)], sem0).wait()
        pltpu.make_async_copy(e_hbm.at[0, pl.ds(0, HC)], sidx, sem1).wait()
        pltpu.make_async_copy(e_hbm.at[1, pl.ds(0, HC)], didx, sem1).wait()

        plsc.subcore_barrier()

        for h in range(2):
            if h:
                pltpu.sync_copy(e_hbm.at[0, pl.ds(wid * NCHUNK + h * HC, HC)],
                                sidx)
                pltpu.sync_copy(e_hbm.at[1, pl.ds(wid * NCHUNK + h * HC, HC)],
                                didx)
            pltpu.async_copy(table_hbm.at[sidx.at[0]], rows0, sem0)

            @pl.loop(0, HC, step=2)
            def _(j):
                pltpu.make_async_copy(table_hbm.at[sidx.at[0]], rows0,
                                      sem0).wait()
                pltpu.async_copy(table_hbm.at[sidx.at[j + 1]], rows1, sem1)
                pltpu.sync_copy(rows0, agg.at[didx.at[j]], add=True)

                @pl.when(j + 2 < HC)
                def _():
                    pltpu.async_copy(table_hbm.at[sidx.at[j + 2]], rows0, sem0)

                pltpu.make_async_copy(table_hbm.at[sidx.at[0]], rows1,
                                      sem1).wait()
                pltpu.sync_copy(rows1, agg.at[didx.at[j + 1]], add=True)

        plsc.subcore_barrier()

        pltpu.sync_copy(
            agg.at[pl.ds(sid * ZROWS, ZROWS)],
            out_hbm.at[cid, pl.ds(sid * ZROWS, ZROWS)],
        )

    return k(table, edges3)


def _gin_mlp_body(x_ref, agg_ref, w1_ref, b1_ref, w2_ref, b2_ref, o_ref):
    h = x_ref[...] + agg_ref[0] + agg_ref[1]
    t = jnp.dot(h, w1_ref[...], preferred_element_type=jnp.float32) + b1_ref[...]
    t = jnp.maximum(t, 0.0)
    o_ref[...] = jnp.dot(t, w2_ref[...], preferred_element_type=jnp.float32) + b2_ref[...]


def _gin_mlp(x, agg, W1, b1, W2, b2):
    return pl.pallas_call(
        _gin_mlp_body,
        grid=(N // R,),
        in_specs=[
            pl.BlockSpec((R, D), lambda i: (i, 0)),
            pl.BlockSpec((NC, R, H), lambda i: (0, i, 0)),
            pl.BlockSpec((D, H), lambda i: (0, 0)),
            pl.BlockSpec((1, H), lambda i: (0, 0)),
            pl.BlockSpec((H, H), lambda i: (0, 0)),
            pl.BlockSpec((1, H), lambda i: (0, 0)),
        ],
        out_specs=pl.BlockSpec((R, H), lambda i: (i, 0)),
        out_shape=jax.ShapeDtypeStruct((N, H), jnp.float32),
    )(x, agg, W1, b1.reshape(1, H), W2, b2.reshape(1, H))


def _final_body(x_ref, agg_ref, w1_ref, b1_ref, w2_ref, b2_ref, wp_ref,
                wpfull_ref, wf1a_ref, wf1b_ref, bf1_ref, wf2_ref, bf2_ref,
                o_ref, acc, zm, zacc):
    i = pl.program_id(0)

    @pl.when(i == 0)
    def _():
        acc[...] = jnp.zeros_like(acc)
        wfull = wpfull_ref[...]
        m = jnp.max(wfull, axis=0, keepdims=True)
        zm[...] = m
        zacc[...] = jnp.sum(jnp.exp(wfull - m), axis=0, keepdims=True)

    h = x_ref[...] + agg_ref[0] + agg_ref[1]
    t = jnp.dot(h, w1_ref[...], preferred_element_type=jnp.float32) + b1_ref[...]
    t = jnp.maximum(t, 0.0)
    h2 = jnp.dot(t, w2_ref[...], preferred_element_type=jnp.float32) + b2_ref[...]

    sw = jnp.exp(wp_ref[...] - zm[...]) / zacc[...]
    swb = sw.astype(jnp.bfloat16).astype(jnp.float32)
    h2b = h2.astype(jnp.bfloat16).astype(jnp.float32)
    acc[0:1, :] += jnp.sum(h2b * swb[:, 0:1], axis=0, keepdims=True)
    acc[1:2, :] += jnp.sum(h2b * swb[:, 1:2], axis=0, keepdims=True)

    @pl.when(i == (N // R) - 1)
    def _():
        g0 = acc[0:1, :]
        g1 = acc[1:2, :]
        t1 = (jnp.dot(g0, wf1a_ref[...], preferred_element_type=jnp.float32)
              + jnp.dot(g1, wf1b_ref[...], preferred_element_type=jnp.float32)
              + bf1_ref[...])
        t1 = jnp.maximum(t1, 0.0)
        o = jnp.sum(t1 * wf2_ref[...], axis=1, keepdims=True) + bf2_ref[...]
        o_ref[...] = o


def _final(x, agg, W1, b1, W2, b2, w_pool, Wf1, bf1, Wf2, bf2):
    return pl.pallas_call(
        _final_body,
        grid=(N // R,),
        in_specs=[
            pl.BlockSpec((R, D), lambda i: (i, 0)),
            pl.BlockSpec((NC, R, H), lambda i: (0, i, 0)),
            pl.BlockSpec((D, H), lambda i: (0, 0)),
            pl.BlockSpec((1, H), lambda i: (0, 0)),
            pl.BlockSpec((H, H), lambda i: (0, 0)),
            pl.BlockSpec((1, H), lambda i: (0, 0)),
            pl.BlockSpec((R, K), lambda i: (i, 0)),
            pl.BlockSpec((N, K), lambda i: (0, 0)),
            pl.BlockSpec((H, H), lambda i: (0, 0)),
            pl.BlockSpec((H, H), lambda i: (1, 0)),
            pl.BlockSpec((1, H), lambda i: (0, 0)),
            pl.BlockSpec((1, H), lambda i: (0, 0)),
            pl.BlockSpec((1, 1), lambda i: (0, 0)),
        ],
        out_specs=pl.BlockSpec((1, 1), lambda i: (0, 0)),
        out_shape=jax.ShapeDtypeStruct((1, 1), jnp.float32),
        scratch_shapes=[
            pltpu.VMEM((2, H), jnp.float32),
            pltpu.VMEM((1, K), jnp.float32),
            pltpu.VMEM((1, K), jnp.float32),
        ],
    )(x, agg, W1, b1.reshape(1, H), W2, b2.reshape(1, H), w_pool, w_pool,
      Wf1, Wf1, bf1.reshape(1, H), Wf2.reshape(1, H), bf2.reshape(1, 1))


def kernel(x, edge_index, batch, W1_0, b1_0, W2_0, b2_0, W1_1, b1_1,
           W2_1, b2_1, w_pool, Wf1, bf1, Wf2, bf2):
    edges3 = jnp.concatenate(
        [edge_index, jnp.asarray(_PAD_EDGES)], axis=1,
    ).reshape(2, NW * NCHUNK, CH)

    agg0 = _seg_sum(x, edges3)
    h1 = _gin_mlp(x, agg0, W1_0, b1_0, W2_0, b2_0)
    agg1 = _seg_sum(h1, edges3)
    return _final(h1, agg1, W1_1, b1_1, W2_1, b2_1, w_pool, Wf1, bf1,
                  Wf2, bf2)

# --- scband reference (transcript-rebuilt; emitter-appended) ---
"""Pipeline reference for scband-gnn-81767587381704 (READ-ONLY COPY).

The authoritative reference and input builder live on the scoring server;
editing this copy changes nothing except your own understanding.
"""

import jax, jax.numpy as jnp
import numpy as np

N = 10000       # total nodes (single graph)
E = 320000      # edges
D = 128         # in_dim
H = 128         # gnn_hid_dim
NUM_NODES = 10000  # ROIAwareGP num_nodes (per graph)
B = 1           # number of graphs
K = 2           # ROIAwareGP num_heads


def setup_inputs(seed: int = 0) -> dict:
    key = jax.random.key(seed)
    ks = jax.random.split(key, 20)
    x = jax.random.normal(ks[0], (N, D), dtype=jnp.float32)
    edge_index = jax.random.randint(ks[1], (2, E), 0, N, dtype=jnp.int32)
    batch = jnp.zeros((N,), dtype=jnp.int32)
    s = 0.05
    # GIN layer 0 local_nn: Linear(D,H) + ReLU, then Linear(H,H)
    W1_0 = jax.random.normal(ks[2], (D, H), jnp.float32) * s
    b1_0 = jnp.zeros((H,), jnp.float32)
    W2_0 = jax.random.normal(ks[3], (H, H), jnp.float32) * s
    b2_0 = jnp.zeros((H,), jnp.float32)
    # GIN layer 1
    W1_1 = jax.random.normal(ks[4], (H, H), jnp.float32) * s
    b1_1 = jnp.zeros((H,), jnp.float32)
    W2_1 = jax.random.normal(ks[5], (H, H), jnp.float32) * s
    b2_1 = jnp.zeros((H,), jnp.float32)
    # ROIAwareGP weight (num_nodes, num_heads), init ~ torch.rand
    w_pool = jax.random.uniform(ks[6], (NUM_NODES, K), jnp.float32)
    # fcnn: Linear(2*H, H) + ReLU, Linear(H, 1)
    Wf1 = jax.random.normal(ks[7], (K * H, H), jnp.float32) * s
    bf1 = jnp.zeros((H,), jnp.float32)
    Wf2 = jax.random.normal(ks[8], (H, 1), jnp.float32) * s
    bf2 = jnp.zeros((1,), jnp.float32)
    return {
        'x': x, 'edge_index': edge_index, 'batch': batch,
        'W1_0': W1_0, 'b1_0': b1_0, 'W2_0': W2_0, 'b2_0': b2_0,
        'W1_1': W1_1, 'b1_1': b1_1, 'W2_1': W2_1, 'b2_1': b2_1,
        'w_pool': w_pool, 'Wf1': Wf1, 'bf1': bf1, 'Wf2': Wf2, 'bf2': bf2,
    }


def _gin_conv(x, src, dst, W1, b1, W2, b2):
    # GINConv with eps=0: nn((1+eps)*x + sum_{j->i} x_j)
    msg = jnp.take(x, src, axis=0)                     # gather source features [E, d]
    agg = jax.ops.segment_sum(msg, dst, num_segments=N)  # scatter-add at dst   [N, d]
    h = x + agg
    h = jax.nn.relu(h @ W1 + b1)  # LinearBlock (dropout=Identity, bn=Identity)
    h = h @ W2 + b2               # final Linear of local_nn
    return h


def reference(x, edge_index, batch, W1_0, b1_0, W2_0, b2_0, W1_1, b1_1, W2_1, b2_1, w_pool, Wf1, bf1, Wf2, bf2):
    src = edge_index[0]
    dst = edge_index[1]
    # PermutEquivMP: two GINConv layers
    h = _gin_conv(x, src, dst, W1_0, b1_0, W2_0, b2_0)
    h = _gin_conv(h, src, dst, W1_1, b1_1, W2_1, b2_1)
    # ROIAwareGP: to_dense_batch (uniform graphs: NUM_NODES nodes each)
    pos = jnp.arange(N, dtype=jnp.int32) - batch * NUM_NODES
    dense = jnp.zeros((B, NUM_NODES, H), h.dtype).at[batch, pos].set(h)  # [B, n, H]
    sw = jax.nn.softmax(w_pool, axis=0)                                   # softmax over node dim
    g = jnp.einsum('bnd,nk->bdk', dense, sw)        # (dense.transpose(1,2) @ sw) -> [B, H, K]
    g = jnp.transpose(g, (0, 2, 1)).reshape(B, K * H)  # [B, K*H]
    # fcnn
    out = jax.nn.relu(g @ Wf1 + bf1)
    out = out @ Wf2 + bf2
    return out  # [B, 1]

if __name__ == "__main__":
    import jax
    _d = setup_inputs()
    print(jax.jit(kernel)(*tuple(_d.values())))

</pallas_src>

<mosaic_0001>
#map = affine_map<(d0, d1) -> (0, 0)>
#map1 = affine_map<(d0, d1) -> (0, 0, 0)>
module attributes {stable_mosaic.version = 14 : i64} {
  func.func @k(%arg0: i32, %arg1: i32, %arg2: memref<10000x128xf32, #tpu.memory_space<hbm>>, %arg3: memref<2x2560x128xi32, #tpu.memory_space<hbm>>, %arg4: memref<2x10240x128xf32, #tpu.memory_space<hbm>>, %arg5: memref<40x128xi32, #tpu.memory_space<vmem>>, %arg6: memref<40x128xi32, #tpu.memory_space<vmem>>, %arg7: memref<128x128xf32, #tpu.memory_space<vmem>>, %arg8: memref<128x128xf32, #tpu.memory_space<vmem>>, %arg9: memref<10240x128xf32, #tpu.memory_space<vmem_shared>>, %arg10: memref<!tpu.dma_semaphore, #tpu.memory_space<semaphore_mem>>, %arg11: memref<!tpu.dma_semaphore, #tpu.memory_space<semaphore_mem>>) attributes {dimension_semantics = [#tpu.dimension_semantics<core_parallel>, #tpu.dimension_semantics<subcore_parallel>], iteration_bounds = array<i64: 2, 16>, scalar_prefetch = 0 : i64, scratch_operands = 7 : i64, tpu.core_type = #tpu.core_type<sc_vector_subcore>, window_params = [{transform_indices = #map}, {transform_indices = #map1}, {transform_indices = #map1}]} {
    %mul3A = arith.constant 2 : i32
    %mul3A_0 = arith.muli %arg1, %mul3A : i32
    %add3A = arith.addi %mul3A_0, %arg0 : i32
    %scan3A = arith.constant 0 : i32
    %scan3A_1 = arith.constant 128 : i32
    %scan3A_2 = arith.addi %scan3A, %scan3A_1 : i32
    %scan3A_3 = arith.constant 1 : i32
    scf.for %scan3A_147 = %scan3A to %scan3A_2 step %scan3A_3  : i32 {
      %mul3A_148 = arith.constant 1 : i32
      %mul3A_149 = arith.muli %scan3A_147, %mul3A_148 : i32
      %add3A_150 = arith.constant 0 : i32
      %add3A_151 = arith.addi %add3A_150, %mul3A_149 : i32
      %scan3A_152 = arith.constant 0 : i32
      %scan3A_153 = arith.constant 8 : i32
      %scan3A_154 = arith.addi %scan3A_152, %scan3A_153 : i32
      %scan3A_155 = arith.constant 1 : i32
      scf.for %scan3A_157 = %scan3A_152 to %scan3A_154 step %scan3A_155  : i32 {
        %mul3A_158 = arith.constant 16 : i32
        %mul3A_159 = arith.muli %scan3A_157, %mul3A_158 : i32
        %add3A_160 = arith.constant 0 : i32
        %add3A_161 = arith.addi %add3A_160, %mul3A_159 : i32
        %broadcast_in_dim3A = arith.constant 0.000000e+00 : f32
        %broadcast_in_dim3A_162 = vector.broadcast %broadcast_in_dim3A : f32 to vector<16xf32>
        %swap3A = arith.index_cast %add3A_151 : i32 to index
        %swap3A_163 = arith.index_cast %add3A_161 : i32 to index
        %swap3A_164 = tpu.vector_load %arg7[%swap3A, %swap3A_163] {strides = array<i32>} : memref<128x128xf32, #tpu.memory_space<vmem>>, vector<1x16xf32>,
        %swap3A_165 = vector.shape_cast %swap3A_164 : vector<1x16xf32> to vector<16xf32>
        %swap3A_166 = vector.shape_cast %broadcast_in_dim3A_162 : vector<16xf32> to vector<1x16xf32>
        tpu.vector_store %arg7[%swap3A, %swap3A_163], %swap3A_166 {strides = array<i32>} : memref<128x128xf32, #tpu.memory_space<vmem>>, vector<1x16xf32>,
      }
      %scan3A_156 = arith.constant 8 : i32
    }
    %scan3A_4 = arith.constant 128 : i32
    %mul3A_5 = arith.constant 640 : i32
    %mul3A_6 = arith.muli %arg1, %mul3A_5 : i32
    %add3A_7 = arith.constant 0 : i32
    %add3A_8 = arith.addi %mul3A_6, %add3A_7 : i32
    %dma_start3A = arith.constant 0 : i32
    %dma_start3A_9 = tpu.memref_slice %arg9[%add3A_8, %dma_start3A] : memref<10240x128xf32, #tpu.memory_space<vmem_shared>> -> memref<128x128xf32, #tpu.memory_space<vmem_shared>>
    %dma_start3A_10 = arith.constant 0 : i32
    %dma_start3A_11 = tpu.memref_slice %arg9[%add3A_8, %dma_start3A_10] : memref<10240x128xf32, #tpu.memory_space<vmem_shared>> -> memref<128x128xf32, #tpu.memory_space<vmem_shared>>
    tpu.enqueue_dma source(%arg7 : memref<128x128xf32, #tpu.memory_space<vmem>>) target(%dma_start3A_11 : memref<128x128xf32, #tpu.memory_space<vmem_shared>>) target_semaphore(%arg10 : memref<!tpu.dma_semaphore, #tpu.memory_space<semaphore_mem>>)
    %mul3A_12 = arith.constant 640 : i32
    %mul3A_13 = arith.muli %arg1, %mul3A_12 : i32
    %add3A_14 = arith.constant 128 : i32
    %add3A_15 = arith.addi %mul3A_13, %add3A_14 : i32
    %dma_start3A_16 = arith.constant 0 : i32
    %dma_start3A_17 = tpu.memref_slice %arg9[%add3A_15, %dma_start3A_16] : memref<10240x128xf32, #tpu.memory_space<vmem_shared>> -> memref<128x128xf32, #tpu.memory_space<vmem_shared>>
    %dma_start3A_18 = arith.constant 0 : i32
    %dma_start3A_19 = tpu.memref_slice %arg9[%add3A_15, %dma_start3A_18] : memref<10240x128xf32, #tpu.memory_space<vmem_shared>> -> memref<128x128xf32, #tpu.memory_space<vmem_shared>>
    tpu.enqueue_dma source(%arg7 : memref<128x128xf32, #tpu.memory_space<vmem>>) target(%dma_start3A_19 : memref<128x128xf32, #tpu.memory_space<vmem_shared>>) target_semaphore(%arg10 : memref<!tpu.dma_semaphore, #tpu.memory_space<semaphore_mem>>)
    %mul3A_20 = arith.constant 640 : i32
    %mul3A_21 = arith.muli %arg1, %mul3A_20 : i32
    %add3A_22 = arith.constant 256 : i32
    %add3A_23 = arith.addi %mul3A_21, %add3A_22 : i32
    %dma_start3A_24 = arith.constant 0 : i32
    %dma_start3A_25 = tpu.memref_slice %arg9[%add3A_23, %dma_start3A_24] : memref<10240x128xf32, #tpu.memory_space<vmem_shared>> -> memref<128x128xf32, #tpu.memory_space<vmem_shared>>
    %dma_start3A_26 = arith.constant 0 : i32
    %dma_start3A_27 = tpu.memref_slice %arg9[%add3A_23, %dma_start3A_26] : memref<10240x128xf32, #tpu.memory_space<vmem_shared>> -> memref<128x128xf32, #tpu.memory_space<vmem_shared>>
    tpu.enqueue_dma source(%arg7 : memref<128x128xf32, #tpu.memory_space<vmem>>) target(%dma_start3A_27 : memref<128x128xf32, #tpu.memory_space<vmem_shared>>) target_semaphore(%arg10 : memref<!tpu.dma_semaphore, #tpu.memory_space<semaphore_mem>>)
    %mul3A_28 = arith.constant 640 : i32
    %mul3A_29 = arith.muli %arg1, %mul3A_28 : i32
    %add3A_30 = arith.constant 384 : i32
    %add3A_31 = arith.addi %mul3A_29, %add3A_30 : i32
    %dma_start3A_32 = arith.constant 0 : i32
    %dma_start3A_33 = tpu.memref_slice %arg9[%add3A_31, %dma_start3A_32] : memref<10240x128xf32, #tpu.memory_space<vmem_shared>> -> memref<128x128xf32, #tpu.memory_space<vmem_shared>>
    %dma_start3A_34 = arith.constant 0 : i32
    %dma_start3A_35 = tpu.memref_slice %arg9[%add3A_31, %dma_start3A_34] : memref<10240x128xf32, #tpu.memory_space<vmem_shared>> -> memref<128x128xf32, #tpu.memory_space<vmem_shared>>
    tpu.enqueue_dma source(%arg7 : memref<128x128xf32, #tpu.memory_space<vmem>>) target(%dma_start3A_35 : memref<128x128xf32, #tpu.memory_space<vmem_shared>>) target_semaphore(%arg10 : memref<!tpu.dma_semaphore, #tpu.memory_space<semaphore_mem>>)
    %mul3A_36 = arith.constant 640 : i32
    %mul3A_37 = arith.muli %arg1, %mul3A_36 : i32
    %add3A_38 = arith.constant 512 : i32
    %add3A_39 = arith.addi %mul3A_37, %add3A_38 : i32
    %dma_start3A_40 = arith.constant 0 : i32
    %dma_start3A_41 = tpu.memref_slice %arg9[%add3A_39, %dma_start3A_40] : memref<10240x128xf32, #tpu.memory_space<vmem_shared>> -> memref<128x128xf32, #tpu.memory_space<vmem_shared>>
    %dma_start3A_42 = arith.constant 0 : i32
    %dma_start3A_43 = tpu.memref_slice %arg9[%add3A_39, %dma_start3A_42] : memref<10240x128xf32, #tpu.memory_space<vmem_shared>> -> memref<128x128xf32, #tpu.memory_space<vmem_shared>>
    tpu.enqueue_dma source(%arg7 : memref<128x128xf32, #tpu.memory_space<vmem>>) target(%dma_start3A_43 : memref<128x128xf32, #tpu.memory_space<vmem_shared>>) target_semaphore(%arg10 : memref<!tpu.dma_semaphore, #tpu.memory_space<semaphore_mem>>)
    %mul3A_44 = arith.constant 80 : i32
    %mul3A_45 = arith.muli %add3A, %mul3A_44 : i32
    %dma_start3A_46 = arith.constant 0 : i32
    %dma_start3A_47 = arith.constant 0 : i32
    %dma_start3A_48 = tpu.memref_slice %arg3[%dma_start3A_46, %mul3A_45, %dma_start3A_47] : memref<2x2560x128xi32, #tpu.memory_space<hbm>> -> memref<1x40x128xi32, #tpu.memory_space<hbm>>
    %dma_start3A_49 = tpu.memref_squeeze %dma_start3A_48 : memref<1x40x128xi32, #tpu.memory_space<hbm>> -> memref<40x128xi32, #tpu.memory_space<hbm>>
    %dma_start3A_50 = arith.constant 0 : i32
    %dma_start3A_51 = tpu.memref_slice %arg3[%dma_start3A_46, %mul3A_45, %dma_start3A_50] : memref<2x2560x128xi32, #tpu.memory_space<hbm>> -> memref<1x40x128xi32, #tpu.memory_space<hbm>>
    %dma_start3A_52 = tpu.memref_squeeze %dma_start3A_51 : memref<1x40x128xi32, #tpu.memory_space<hbm>> -> memref<40x128xi32, #tpu.memory_space<hbm>>
    tpu.enqueue_dma source(%dma_start3A_52 : memref<40x128xi32, #tpu.memory_space<hbm>>) target(%arg5 : memref<40x128xi32, #tpu.memory_space<vmem>>) target_semaphore(%arg11 : memref<!tpu.dma_semaphore, #tpu.memory_space<semaphore_mem>>)
    %mul3A_53 = arith.constant 80 : i32
    %mul3A_54 = arith.muli %add3A, %mul3A_53 : i32
    %dma_start3A_55 = arith.constant 1 : i32
    %dma_start3A_56 = arith.constant 0 : i32
    %dma_start3A_57 = tpu.memref_slice %arg3[%dma_start3A_55, %mul3A_54, %dma_start3A_56] : memref<2x2560x128xi32, #tpu.memory_space<hbm>> -> memref<1x40x128xi32, #tpu.memory_space<hbm>>
    %dma_start3A_58 = tpu.memref_squeeze %dma_start3A_57 : memref<1x40x128xi32, #tpu.memory_space<hbm>> -> memref<40x128xi32, #tpu.memory_space<hbm>>
    %dma_start3A_59 = arith.constant 0 : i32
    %dma_start3A_60 = tpu.memref_slice %arg3[%dma_start3A_55, %mul3A_54, %dma_start3A_59] : memref<2x2560x128xi32, #tpu.memory_space<hbm>> -> memref<1x40x128xi32, #tpu.memory_space<hbm>>
    %dma_start3A_61 = tpu.memref_squeeze %dma_start3A_60 : memref<1x40x128xi32, #tpu.memory_space<hbm>> -> memref<40x128xi32, #tpu.memory_space<hbm>>
    tpu.enqueue_dma source(%dma_start3A_61 : memref<40x128xi32, #tpu.memory_space<hbm>>) target(%arg6 : memref<40x128xi32, #tpu.memory_space<vmem>>) target_semaphore(%arg11 : memref<!tpu.dma_semaphore, #tpu.memory_space<semaphore_mem>>)
    %dma_wait3A = arith.constant 0 : i32
    %dma_wait3A_62 = arith.constant 0 : i32
    %dma_wait3A_63 = tpu.memref_slice %arg9[%dma_wait3A, %dma_wait3A_62] : memref<10240x128xf32, #tpu.memory_space<vmem_shared>> -> memref<128x128xf32, #tpu.memory_space<vmem_shared>>
    %dma_wait3A_64 = arith.constant 0 : i32
    %dma_wait3A_65 = arith.constant 0 : i32
    %dma_wait3A_66 = tpu.memref_slice %arg9[%dma_wait3A_64, %dma_wait3A_65] : memref<10240x128xf32, #tpu.memory_space<vmem_shared>> -> memref<128x128xf32, #tpu.memory_space<vmem_shared>>
    tpu.wait_dma2 semaphore(%arg10 : memref<!tpu.dma_semaphore, #tpu.memory_space<semaphore_mem>>) src(%arg7 : memref<128x128xf32, #tpu.memory_space<vmem>>) dst(%dma_wait3A_66 : memref<128x128xf32, #tpu.memory_space<vmem_shared>>)
    %dma_wait3A_67 = arith.constant 0 : i32
    %dma_wait3A_68 = arith.constant 0 : i32
    %dma_wait3A_69 = tpu.memref_slice %arg9[%dma_wait3A_67, %dma_wait3A_68] : memref<10240x128xf32, #tpu.memory_space<vmem_shared>> -> memref<128x128xf32, #tpu.memory_space<vmem_shared>>
    %dma_wait3A_70 = arith.constant 0 : i32
    %dma_wait3A_71 = arith.constant 0 : i32
    %dma_wait3A_72 = tpu.memref_slice %arg9[%dma_wait3A_70, %dma_wait3A_71] : memref<10240x128xf32, #tpu.memory_space<vmem_shared>> -> memref<128x128xf32, #tpu.memory_space<vmem_shared>>
    tpu.wait_dma2 semaphore(%arg10 : memref<!tpu.dma_semaphore, #tpu.memory_space<semaphore_mem>>) src(%arg7 : memref<128x128xf32, #tpu.memory_space<vmem>>) dst(%dma_wait3A_72 : memref<128x128xf32, #tpu.memory_space<vmem_shared>>)
    %dma_wait3A_73 = arith.constant 0 : i32
    %dma_wait3A_74 = arith.constant 0 : i32
    %dma_wait3A_75 = tpu.memref_slice %arg9[%dma_wait3A_73, %dma_wait3A_74] : memref<10240x128xf32, #tpu.memory_space<vmem_shared>> -> memref<128x128xf32, #tpu.memory_space<vmem_shared>>
    %dma_wait3A_76 = arith.constant 0 : i32
    %dma_wait3A_77 = arith.constant 0 : i32
    %dma_wait3A_78 = tpu.memref_slice %arg9[%dma_wait3A_76, %dma_wait3A_77] : memref<10240x128xf32, #tpu.memory_space<vmem_shared>> -> memref<128x128xf32, #tpu.memory_space<vmem_shared>>
    tpu.wait_dma2 semaphore(%arg10 : memref<!tpu.dma_semaphore, #tpu.memory_space<semaphore_mem>>) src(%arg7 : memref<128x128xf32, #tpu.memory_space<vmem>>) dst(%dma_wait3A_78 : memref<128x128xf32, #tpu.memory_space<vmem_shared>>)
    %dma_wait3A_79 = arith.constant 0 : i32
    %dma_wait3A_80 = arith.constant 0 : i32
    %dma_wait3A_81 = tpu.memref_slice %arg9[%dma_wait3A_79, %dma_wait3A_80] : memref<10240x128xf32, #tpu.memory_space<vmem_shared>> -> memref<128x128xf32, #tpu.memory_space<vmem_shared>>
    %dma_wait3A_82 = arith.constant 0 : i32
    %dma_wait3A_83 = arith.constant 0 : i32
    %dma_wait3A_84 = tpu.memref_slice %arg9[%dma_wait3A_82, %dma_wait3A_83] : memref<10240x128xf32, #tpu.memory_space<vmem_shared>> -> memref<128x128xf32, #tpu.memory_space<vmem_shared>>
    tpu.wait_dma2 semaphore(%arg10 : memref<!tpu.dma_semaphore, #tpu.memory_space<semaphore_mem>>) src(%arg7 : memref<128x128xf32, #tpu.memory_space<vmem>>) dst(%dma_wait3A_84 : memref<128x128xf32, #tpu.memory_space<vmem_shared>>)
    %dma_wait3A_85 = arith.constant 0 : i32
    %dma_wait3A_86 = arith.constant 0 : i32
    %dma_wait3A_87 = tpu.memref_slice %arg9[%dma_wait3A_85, %dma_wait3A_86] : memref<10240x128xf32, #tpu.memory_space<vmem_shared>> -> memref<128x128xf32, #tpu.memory_space<vmem_shared>>
    %dma_wait3A_88 = arith.constant 0 : i32
    %dma_wait3A_89 = arith.constant 0 : i32
    %dma_wait3A_90 = tpu.memref_slice %arg9[%dma_wait3A_88, %dma_wait3A_89] : memref<10240x128xf32, #tpu.memory_space<vmem_shared>> -> memref<128x128xf32, #tpu.memory_space<vmem_shared>>
    tpu.wait_dma2 semaphore(%arg10 : memref<!tpu.dma_semaphore, #tpu.memory_space<semaphore_mem>>) src(%arg7 : memref<128x128xf32, #tpu.memory_space<vmem>>) dst(%dma_wait3A_90 : memref<128x128xf32, #tpu.memory_space<vmem_shared>>)
    %dma_wait3A_91 = arith.constant 0 : i32
    %dma_wait3A_92 = arith.constant 0 : i32
    %dma_wait3A_93 = arith.constant 0 : i32
    %dma_wait3A_94 = tpu.memref_slice %arg3[%dma_wait3A_91, %dma_wait3A_92, %dma_wait3A_93] : memref<2x2560x128xi32, #tpu.memory_space<hbm>> -> memref<1x40x128xi32, #tpu.memory_space<hbm>>
    %dma_wait3A_95 = tpu.memref_squeeze %dma_wait3A_94 : memref<1x40x128xi32, #tpu.memory_space<hbm>> -> memref<40x128xi32, #tpu.memory_space<hbm>>
    %dma_wait3A_96 = arith.constant 0 : i32
    %dma_wait3A_97 = arith.constant 0 : i32
    %dma_wait3A_98 = tpu.memref_slice %arg3[%dma_wait3A_91, %dma_wait3A_96, %dma_wait3A_97] : memref<2x2560x128xi32, #tpu.memory_space<hbm>> -> memref<1x40x128xi32, #tpu.memory_space<hbm>>
    %dma_wait3A_99 = tpu.memref_squeeze %dma_wait3A_98 : memref<1x40x128xi32, #tpu.memory_space<hbm>> -> memref<40x128xi32, #tpu.memory_space<hbm>>
    tpu.wait_dma2 semaphore(%arg11 : memref<!tpu.dma_semaphore, #tpu.memory_space<semaphore_mem>>) src(%dma_wait3A_99 : memref<40x128xi32, #tpu.memory_space<hbm>>) dst(%arg5 : memref<40x128xi32, #tpu.memory_space<vmem>>)
    %dma_wait3A_100 = arith.constant 1 : i32
    %dma_wait3A_101 = arith.constant 0 : i32
    %dma_wait3A_102 = arith.constant 0 : i32
    %dma_wait3A_103 = tpu.memref_slice %arg3[%dma_wait3A_100, %dma_wait3A_101, %dma_wait3A_102] : memref<2x2560x128xi32, #tpu.memory_space<hbm>> -> memref<1x40x128xi32, #tpu.memory_space<hbm>>
    %dma_wait3A_104 = tpu.memref_squeeze %dma_wait3A_103 : memref<1x40x128xi32, #tpu.memory_space<hbm>> -> memref<40x128xi32, #tpu.memory_space<hbm>>
    %dma_wait3A_105 = arith.constant 0 : i32
    %dma_wait3A_106 = arith.constant 0 : i32
    %dma_wait3A_107 = tpu.memref_slice %arg3[%dma_wait3A_100, %dma_wait3A_105, %dma_wait3A_106] : memref<2x2560x128xi32, #tpu.memory_space<hbm>> -> memref<1x40x128xi32, #tpu.memory_space<hbm>>
    %dma_wait3A_108 = tpu.memref_squeeze %dma_wait3A_107 : memref<1x40x128xi32, #tpu.memory_space<hbm>> -> memref<40x128xi32, #tpu.memory_space<hbm>>
    tpu.wait_dma2 semaphore(%arg11 : memref<!tpu.dma_semaphore, #tpu.memory_space<semaphore_mem>>) src(%dma_wait3A_108 : memref<40x128xi32, #tpu.memory_space<hbm>>) dst(%arg6 : memref<40x128xi32, #tpu.memory_space<vmem>>)
    %barrier3A = arith.constant 0 : index
    tpu.barrier barrier_id(%barrier3A)
    %dma_start3A_109 = arith.constant 0 : i32
    %dma_start3A_110 = arith.constant 0 : i32
    %dma_start3A_111 = tpu.memref_slice %arg5[%dma_start3A_109, %dma_start3A_110] : memref<40x128xi32, #tpu.memory_space<vmem>> -> memref<1x128xi32, #tpu.memory_space<vmem>>
    %dma_start3A_112 = tpu.memref_squeeze %dma_start3A_111 : memref<1x128xi32, #tpu.memory_space<vmem>> -> memref<128xi32, #tpu.memory_space<vmem>>
    %dma_start3A_113 = arith.constant 0 : i32
    %dma_start3A_114 = arith.constant 0 : i32
    %dma_start3A_115 = tpu.memref_slice %arg2[%dma_start3A_113, %dma_start3A_114] : memref<10000x128xf32, #tpu.memory_space<hbm>> -> memref<10000x128xf32, #tpu.memory_space<hbm>>
    tpu.enqueue_indirect_dma source(%dma_start3A_115 : memref<10000x128xf32, #tpu.memory_space<hbm>>) target(%arg7 : memref<128x128xf32, #tpu.memory_space<vmem>>) offsets(%dma_start3A_112 : memref<128xi32, #tpu.memory_space<vmem>>) semaphore(%arg10 : memref<!tpu.dma_semaphore, #tpu.memory_space<semaphore_mem>>)
    %scan3A_116 = arith.constant 0 : i32
    %scan3A_117 = arith.constant 20 : i32
    %scan3A_118 = arith.addi %scan3A_116, %scan3A_117 : i32
    %scan3A_119 = arith.constant 1 : i32
    scf.for %scan3A_147 = %scan3A_116 to %scan3A_118 step %scan3A_119  : i32 {
      %mul3A_148 = arith.constant 2 : i32
      %mul3A_149 = arith.muli %scan3A_147, %mul3A_148 : i32
      %add3A_150 = arith.constant 0 : i32
      %add3A_151 = arith.addi %add3A_150, %mul3A_149 : i32
      %dma_wait3A_152 = arith.constant 0 : i32
      %dma_wait3A_153 = arith.constant 0 : i32
      %dma_wait3A_154 = tpu.memref_slice %arg5[%dma_wait3A_152, %dma_wait3A_153] : memref<40x128xi32, #tpu.memory_space<vmem>> -> memref<1x128xi32, #tpu.memory_space<vmem>>
      %dma_wait3A_155 = tpu.memref_squeeze %dma_wait3A_154 : memref<1x128xi32, #tpu.memory_space<vmem>> -> memref<128xi32, #tpu.memory_space<vmem>>
      %dma_wait3A_156 = arith.constant 0 : i32
      %dma_wait3A_157 = arith.constant 0 : i32
      %dma_wait3A_158 = tpu.memref_slice %arg2[%dma_wait3A_156, %dma_wait3A_157] : memref<10000x128xf32, #tpu.memory_space<hbm>> -> memref<10000x128xf32, #tpu.memory_space<hbm>>
      tpu.wait_indirect_dma semaphore(%arg10 : memref<!tpu.dma_semaphore, #tpu.memory_space<semaphore_mem>>) src(%dma_wait3A_158 : memref<10000x128xf32, #tpu.memory_space<hbm>>) dst(%arg7 : memref<128x128xf32, #tpu.memory_space<vmem>>)
      %add3A_159 = arith.constant 1 : i32
      %add3A_160 = arith.addi %add3A_151, %add3A_159 : i32
      %dma_start3A_161 = arith.constant 0 : i32
      %dma_start3A_162 = tpu.memref_slice %arg5[%add3A_160, %dma_start3A_161] : memref<40x128xi32, #tpu.memory_space<vmem>> -> memref<1x128xi32, #tpu.memory_space<vmem>>
      %dma_start3A_163 = tpu.memref_squeeze %dma_start3A_162 : memref<1x128xi32, #tpu.memory_space<vmem>> -> memref<128xi32, #tpu.memory_space<vmem>>
      %dma_start3A_164 = arith.constant 0 : i32
      %dma_start3A_165 = arith.constant 0 : i32
      %dma_start3A_166 = tpu.memref_slice %arg2[%dma_start3A_164, %dma_start3A_165] : memref<10000x128xf32, #tpu.memory_space<hbm>> -> memref<10000x128xf32, #tpu.memory_space<hbm>>
      tpu.enqueue_indirect_dma source(%dma_start3A_166 : memref<10000x128xf32, #tpu.memory_space<hbm>>) target(%arg8 : memref<128x128xf32, #tpu.memory_space<vmem>>) offsets(%dma_start3A_163 : memref<128xi32, #tpu.memory_space<vmem>>) semaphore(%arg11 : memref<!tpu.dma_semaphore, #tpu.memory_space<semaphore_mem>>)
      "tpu.region"() ({
        %run_scoped3A_180 = tpu.sem_alloc : memref<!tpu.dma_semaphore, #tpu.memory_space<semaphore_mem>>
        %dma_start3A_181 = arith.constant 0 : i32
        %dma_start3A_182 = tpu.memref_slice %arg6[%add3A_151, %dma_start3A_181] : memref<40x128xi32, #tpu.memory_space<vmem>> -> memref<1x128xi32, #tpu.memory_space<vmem>>
        %dma_start3A_183 = tpu.memref_squeeze %dma_start3A_182 : memref<1x128xi32, #tpu.memory_space<vmem>> -> memref<128xi32, #tpu.memory_space<vmem>>
        %dma_start3A_184 = arith.constant 0 : i32
        %dma_start3A_185 = arith.constant 0 : i32
        %dma_start3A_186 = tpu.memref_slice %arg9[%dma_start3A_184, %dma_start3A_185] : memref<10240x128xf32, #tpu.memory_space<vmem_shared>> -> memref<10240x128xf32, #tpu.memory_space<vmem_shared>>
        tpu.enqueue_indirect_dma source(%arg7 : memref<128x128xf32, #tpu.memory_space<vmem>>) target(%dma_start3A_186 : memref<10240x128xf32, #tpu.memory_space<vmem_shared>>) offsets(%dma_start3A_183 : memref<128xi32, #tpu.memory_space<vmem>>) semaphore(%run_scoped3A_180 : memref<!tpu.dma_semaphore, #tpu.memory_space<semaphore_mem>>) {add = true}
        %dma_wait3A_187 = arith.constant 0 : i32
        %dma_wait3A_188 = tpu.memref_slice %arg6[%add3A_151, %dma_wait3A_187] : memref<40x128xi32, #tpu.memory_space<vmem>> -> memref<1x128xi32, #tpu.memory_space<vmem>>
        %dma_wait3A_189 = tpu.memref_squeeze %dma_wait3A_188 : memref<1x128xi32, #tpu.memory_space<vmem>> -> memref<128xi32, #tpu.memory_space<vmem>>
        %dma_wait3A_190 = arith.constant 0 : i32
        %dma_wait3A_191 = arith.constant 0 : i32
        %dma_wait3A_192 = tpu.memref_slice %arg9[%dma_wait3A_190, %dma_wait3A_191] : memref<10240x128xf32, #tpu.memory_space<vmem_shared>> -> memref<10240x128xf32, #tpu.memory_space<vmem_shared>>
        tpu.wait_indirect_dma semaphore(%run_scoped3A_180 : memref<!tpu.dma_semaphore, #tpu.memory_space<semaphore_mem>>) src(%arg7 : memref<128x128xf32, #tpu.memory_space<vmem>>) dst(%dma_wait3A_192 : memref<10240x128xf32, #tpu.memory_space<vmem_shared>>)
        tpu.yield
      }) : () -> ()
      %add3A_167 = arith.constant 2 : i32
      %add3A_168 = arith.addi %add3A_151, %add3A_167 : i32
      %lt3A = arith.constant 40 : i32
      %lt3A_169 = arith.cmpi slt, %add3A_168, %lt3A : i32
      %convert_element_type3A = arith.extui %lt3A_169 : i1 to i32
      %cond3A = arith.constant 0 : i32
      %cond3A_170 = arith.cmpi ne, %convert_element_type3A, %cond3A : i32
      scf.if %cond3A_170 {
        %add3A_180 = arith.constant 2 : i32
        %add3A_181 = arith.addi %add3A_151, %add3A_180 : i32
        %dma_start3A_182 = arith.constant 0 : i32
        %dma_start3A_183 = tpu.memref_slice %arg5[%add3A_181, %dma_start3A_182] : memref<40x128xi32, #tpu.memory_space<vmem>> -> memref<1x128xi32, #tpu.memory_space<vmem>>
        %dma_start3A_184 = tpu.memref_squeeze %dma_start3A_183 : memref<1x128xi32, #tpu.memory_space<vmem>> -> memref<128xi32, #tpu.memory_space<vmem>>
        %dma_start3A_185 = arith.constant 0 : i32
        %dma_start3A_186 = arith.constant 0 : i32
        %dma_start3A_187 = tpu.memref_slice %arg2[%dma_start3A_185, %dma_start3A_186] : memref<10000x128xf32, #tpu.memory_space<hbm>> -> memref<10000x128xf32, #tpu.memory_space<hbm>>
        tpu.enqueue_indirect_dma source(%dma_start3A_187 : memref<10000x128xf32, #tpu.memory_space<hbm>>) target(%arg7 : memref<128x128xf32, #tpu.memory_space<vmem>>) offsets(%dma_start3A_184 : memref<128xi32, #tpu.memory_space<vmem>>) semaphore(%arg10 : memref<!tpu.dma_semaphore, #tpu.memory_space<semaphore_mem>>)
      } else {
      }
      %dma_wait3A_171 = arith.constant 0 : i32
      %dma_wait3A_172 = arith.constant 0 : i32
      %dma_wait3A_173 = tpu.memref_slice %arg5[%dma_wait3A_171, %dma_wait3A_172] : memref<40x128xi32, #tpu.memory_space<vmem>> -> memref<1x128xi32, #tpu.memory_space<vmem>>
      %dma_wait3A_174 = tpu.memref_squeeze %dma_wait3A_173 : memref<1x128xi32, #tpu.memory_space<vmem>> -> memref<128xi32, #tpu.memory_space<vmem>>
      %dma_wait3A_175 = arith.constant 0 : i32
      %dma_wait3A_176 = arith.constant 0 : i32
      %dma_wait3A_177 = tpu.memref_slice %arg2[%dma_wait3A_175, %dma_wait3A_176] : memref<10000x128xf32, #tpu.memory_space<hbm>> -> memref<10000x128xf32, #tpu.memory_space<hbm>>
      tpu.wait_indirect_dma semaphore(%arg11 : memref<!tpu.dma_semaphore, #tpu.memory_space<semaphore_mem>>) src(%dma_wait3A_177 : memref<10000x128xf32, #tpu.memory_space<hbm>>) dst(%arg8 : memref<128x128xf32, #tpu.memory_space<vmem>>)
      %add3A_178 = arith.constant 1 : i32
      %add3A_179 = arith.addi %add3A_151, %add3A_178 : i32
      "tpu.region"() ({
        %run_scoped3A_180 = tpu.sem_alloc : memref<!tpu.dma_semaphore, #tpu.memory_space<semaphore_mem>>
        %dma_start3A_181 = arith.constant 0 : i32
        %dma_start3A_182 = tpu.memref_slice %arg6[%add3A_179, %dma_start3A_181] : memref<40x128xi32, #tpu.memory_space<vmem>> -> memref<1x128xi32, #tpu.memory_space<vmem>>
        %dma_start3A_183 = tpu.memref_squeeze %dma_start3A_182 : memref<1x128xi32, #tpu.memory_space<vmem>> -> memref<128xi32, #tpu.memory_space<vmem>>
        %dma_start3A_184 = arith.constant 0 : i32
        %dma_start3A_185 = arith.constant 0 : i32
        %dma_start3A_186 = tpu.memref_slice %arg9[%dma_start3A_184, %dma_start3A_185] : memref<10240x128xf32, #tpu.memory_space<vmem_shared>> -> memref<10240x128xf32, #tpu.memory_space<vmem_shared>>
        tpu.enqueue_indirect_dma source(%arg8 : memref<128x128xf32, #tpu.memory_space<vmem>>) target(%dma_start3A_186 : memref<10240x128xf32, #tpu.memory_space<vmem_shared>>) offsets(%dma_start3A_183 : memref<128xi32, #tpu.memory_space<vmem>>) semaphore(%run_scoped3A_180 : memref<!tpu.dma_semaphore, #tpu.memory_space<semaphore_mem>>) {add = true}
        %dma_wait3A_187 = arith.constant 0 : i32
        %dma_wait3A_188 = tpu.memref_slice %arg6[%add3A_179, %dma_wait3A_187] : memref<40x128xi32, #tpu.memory_space<vmem>> -> memref<1x128xi32, #tpu.memory_space<vmem>>
        %dma_wait3A_189 = tpu.memref_squeeze %dma_wait3A_188 : memref<1x128xi32, #tpu.memory_space<vmem>> -> memref<128xi32, #tpu.memory_space<vmem>>
        %dma_wait3A_190 = arith.constant 0 : i32
        %dma_wait3A_191 = arith.constant 0 : i32
        %dma_wait3A_192 = tpu.memref_slice %arg9[%dma_wait3A_190, %dma_wait3A_191] : memref<10240x128xf32, #tpu.memory_space<vmem_shared>> -> memref<10240x128xf32, #tpu.memory_space<vmem_shared>>
        tpu.wait_indirect_dma semaphore(%run_scoped3A_180 : memref<!tpu.dma_semaphore, #tpu.memory_space<semaphore_mem>>) src(%arg8 : memref<128x128xf32, #tpu.memory_space<vmem>>) dst(%dma_wait3A_192 : memref<10240x128xf32, #tpu.memory_space<vmem_shared>>)
        tpu.yield
      }) : () -> ()
    }
    %scan3A_120 = arith.constant 20 : i32
    %mul3A_121 = arith.constant 80 : i32
    %mul3A_122 = arith.muli %add3A, %mul3A_121 : i32
    %add3A_123 = arith.constant 40 : i32
    %add3A_124 = arith.addi %mul3A_122, %add3A_123 : i32
    %run_scoped3A = arith.constant 0 : i32
    "tpu.region"() ({
      %run_scoped3A_147 = tpu.sem_alloc : memref<!tpu.dma_semaphore, #tpu.memory_space<semaphore_mem>>
      %dma_start3A_148 = arith.constant 0 : i32
      %dma_start3A_149 = tpu.memref_slice %arg3[%run_scoped3A, %add3A_124, %dma_start3A_148] : memref<2x2560x128xi32, #tpu.memory_space<hbm>> -> memref<1x40x128xi32, #tpu.memory_space<hbm>>
      %dma_start3A_150 = tpu.memref_squeeze %dma_start3A_149 : memref<1x40x128xi32, #tpu.memory_space<hbm>> -> memref<40x128xi32, #tpu.memory_space<hbm>>
      %dma_start3A_151 = arith.constant 0 : i32
      %dma_start3A_152 = tpu.memref_slice %arg3[%run_scoped3A, %add3A_124, %dma_start3A_151] : memref<2x2560x128xi32, #tpu.memory_space<hbm>> -> memref<1x40x128xi32, #tpu.memory_space<hbm>>
      %dma_start3A_153 = tpu.memref_squeeze %dma_start3A_152 : memref<1x40x128xi32, #tpu.memory_space<hbm>> -> memref<40x128xi32, #tpu.memory_space<hbm>>
      tpu.enqueue_dma source(%dma_start3A_153 : memref<40x128xi32, #tpu.memory_space<hbm>>) target(%arg5 : memref<40x128xi32, #tpu.memory_space<vmem>>) target_semaphore(%run_scoped3A_147 : memref<!tpu.dma_semaphore, #tpu.memory_space<semaphore_mem>>)
      %dma_wait3A_154 = arith.constant 0 : i32
      %dma_wait3A_155 = tpu.memref_slice %arg3[%run_scoped3A, %add3A_124, %dma_wait3A_154] : memref<2x2560x128xi32, #tpu.memory_space<hbm>> -> memref<1x40x128xi32, #tpu.memory_space<hbm>>
      %dma_wait3A_156 = tpu.memref_squeeze %dma_wait3A_155 : memref<1x40x128xi32, #tpu.memory_space<hbm>> -> memref<40x128xi32, #tpu.memory_space<hbm>>
      %dma_wait3A_157 = arith.constant 0 : i32
      %dma_wait3A_158 = tpu.memref_slice %arg3[%run_scoped3A, %add3A_124, %dma_wait3A_157] : memref<2x2560x128xi32, #tpu.memory_space<hbm>> -> memref<1x40x128xi32, #tpu.memory_space<hbm>>
      %dma_wait3A_159 = tpu.memref_squeeze %dma_wait3A_158 : memref<1x40x128xi32, #tpu.memory_space<hbm>> -> memref<40x128xi32, #tpu.memory_space<hbm>>
      tpu.wait_dma2 semaphore(%run_scoped3A_147 : memref<!tpu.dma_semaphore, #tpu.memory_space<semaphore_mem>>) src(%dma_wait3A_159 : memref<40x128xi32, #tpu.memory_space<hbm>>) dst(%arg5 : memref<40x128xi32, #tpu.memory_space<vmem>>)
      tpu.yield
    }) : () -> ()
    %mul3A_125 = arith.constant 80 : i32
    %mul3A_126 = arith.muli %add3A, %mul3A_125 : i32
    %add3A_127 = arith.constant 40 : i32
    %add3A_128 = arith.addi %mul3A_126, %add3A_127 : i32
    %run_scoped3A_129 = arith.constant 1 : i32
    "tpu.region"() ({
      %run_scoped3A_147 = tpu.sem_alloc : memref<!tpu.dma_semaphore, #tpu.memory_space<semaphore_mem>>
      %dma_start3A_148 = arith.constant 0 : i32
      %dma_start3A_149 = tpu.memref_slice %arg3[%run_scoped3A_129, %add3A_128, %dma_start3A_148] : memref<2x2560x128xi32, #tpu.memory_space<hbm>> -> memref<1x40x128xi32, #tpu.memory_space<hbm>>
      %dma_start3A_150 = tpu.memref_squeeze %dma_start3A_149 : memref<1x40x128xi32, #tpu.memory_space<hbm>> -> memref<40x128xi32, #tpu.memory_space<hbm>>
      %dma_start3A_151 = arith.constant 0 : i32
      %dma_start3A_152 = tpu.memref_slice %arg3[%run_scoped3A_129, %add3A_128, %dma_start3A_151] : memref<2x2560x128xi32, #tpu.memory_space<hbm>> -> memref<1x40x128xi32, #tpu.memory_space<hbm>>
      %dma_start3A_153 = tpu.memref_squeeze %dma_start3A_152 : memref<1x40x128xi32, #tpu.memory_space<hbm>> -> memref<40x128xi32, #tpu.memory_space<hbm>>
      tpu.enqueue_dma source(%dma_start3A_153 : memref<40x128xi32, #tpu.memory_space<hbm>>) target(%arg6 : memref<40x128xi32, #tpu.memory_space<vmem>>) target_semaphore(%run_scoped3A_147 : memref<!tpu.dma_semaphore, #tpu.memory_space<semaphore_mem>>)
      %dma_wait3A_154 = arith.constant 0 : i32
      %dma_wait3A_155 = tpu.memref_slice %arg3[%run_scoped3A_129, %add3A_128, %dma_wait3A_154] : memref<2x2560x128xi32, #tpu.memory_space<hbm>> -> memref<1x40x128xi32, #tpu.memory_space<hbm>>
      %dma_wait3A_156 = tpu.memref_squeeze %dma_wait3A_155 : memref<1x40x128xi32, #tpu.memory_space<hbm>> -> memref<40x128xi32, #tpu.memory_space<hbm>>
      %dma_wait3A_157 = arith.constant 0 : i32
      %dma_wait3A_158 = tpu.memref_slice %arg3[%run_scoped3A_129, %add3A_128, %dma_wait3A_157] : memref<2x2560x128xi32, #tpu.memory_space<hbm>> -> memref<1x40x128xi32, #tpu.memory_space<hbm>>
      %dma_wait3A_159 = tpu.memref_squeeze %dma_wait3A_158 : memref<1x40x128xi32, #tpu.memory_space<hbm>> -> memref<40x128xi32, #tpu.memory_space<hbm>>
      tpu.wait_dma2 semaphore(%run_scoped3A_147 : memref<!tpu.dma_semaphore, #tpu.memory_space<semaphore_mem>>) src(%dma_wait3A_159 : memref<40x128xi32, #tpu.memory_space<hbm>>) dst(%arg6 : memref<40x128xi32, #tpu.memory_space<vmem>>)
      tpu.yield
    }) : () -> ()
    %dma_start3A_130 = arith.constant 0 : i32
    %dma_start3A_131 = arith.constant 0 : i32
    %dma_start3A_132 = tpu.memref_slice %arg5[%dma_start3A_130, %dma_start3A_131] : memref<40x128xi32, #tpu.memory_space<vmem>> -> memref<1x128xi32, #tpu.memory_space<vmem>>
    %dma_start3A_133 = tpu.memref_squeeze %dma_start3A_132 : memref<1x128xi32, #tpu.memory_space<vmem>> -> memref<128xi32, #tpu.memory_space<vmem>>
    %dma_start3A_134 = arith.constant 0 : i32
    %dma_start3A_135 = arith.constant 0 : i32
    %dma_start3A_136 = tpu.memref_slice %arg2[%dma_start3A_134, %dma_start3A_135] : memref<10000x128xf32, #tpu.memory_space<hbm>> -> memref<10000x128xf32, #tpu.memory_space<hbm>>
    tpu.enqueue_indirect_dma source(%dma_start3A_136 : memref<10000x128xf32, #tpu.memory_space<hbm>>) target(%arg7 : memref<128x128xf32, #tpu.memory_space<vmem>>) offsets(%dma_start3A_133 : memref<128xi32, #tpu.memory_space<vmem>>) semaphore(%arg10 : memref<!tpu.dma_semaphore, #tpu.memory_space<semaphore_mem>>)
    %scan3A_137 = arith.constant 0 : i32
    %scan3A_138 = arith.constant 20 : i32
    %scan3A_139 = arith.addi %scan3A_137, %scan3A_138 : i32
    %scan3A_140 = arith.constant 1 : i32
    scf.for %scan3A_147 = %scan3A_137 to %scan3A_139 step %scan3A_140  : i32 {
      %mul3A_148 = arith.constant 2 : i32
      %mul3A_149 = arith.muli %scan3A_147, %mul3A_148 : i32
      %add3A_150 = arith.constant 0 : i32
      %add3A_151 = arith.addi %add3A_150, %mul3A_149 : i32
      %dma_wait3A_152 = arith.constant 0 : i32
      %dma_wait3A_153 = arith.constant 0 : i32
      %dma_wait3A_154 = tpu.memref_slice %arg5[%dma_wait3A_152, %dma_wait3A_153] : memref<40x128xi32, #tpu.memory_space<vmem>> -> memref<1x128xi32, #tpu.memory_space<vmem>>
      %dma_wait3A_155 = tpu.memref_squeeze %dma_wait3A_154 : memref<1x128xi32, #tpu.memory_space<vmem>> -> memref<128xi32, #tpu.memory_space<vmem>>
      %dma_wait3A_156 = arith.constant 0 : i32
      %dma_wait3A_157 = arith.constant 0 : i32
      %dma_wait3A_158 = tpu.memref_slice %arg2[%dma_wait3A_156, %dma_wait3A_157] : memref<10000x128xf32, #tpu.memory_space<hbm>> -> memref<10000x128xf32, #tpu.memory_space<hbm>>
      tpu.wait_indirect_dma semaphore(%arg10 : memref<!tpu.dma_semaphore, #tpu.memory_space<semaphore_mem>>) src(%dma_wait3A_158 : memref<10000x128xf32, #tpu.memory_space<hbm>>) dst(%arg7 : memref<128x128xf32, #tpu.memory_space<vmem>>)
      %add3A_159 = arith.constant 1 : i32
      %add3A_160 = arith.addi %add3A_151, %add3A_159 : i32
      %dma_start3A_161 = arith.constant 0 : i32
      %dma_start3A_162 = tpu.memref_slice %arg5[%add3A_160, %dma_start3A_161] : memref<40x128xi32, #tpu.memory_space<vmem>> -> memref<1x128xi32, #tpu.memory_space<vmem>>
      %dma_start3A_163 = tpu.memref_squeeze %dma_start3A_162 : memref<1x128xi32, #tpu.memory_space<vmem>> -> memref<128xi32, #tpu.memory_space<vmem>>
      %dma_start3A_164 = arith.constant 0 : i32
      %dma_start3A_165 = arith.constant 0 : i32
      %dma_start3A_166 = tpu.memref_slice %arg2[%dma_start3A_164, %dma_start3A_165] : memref<10000x128xf32, #tpu.memory_space<hbm>> -> memref<10000x128xf32, #tpu.memory_space<hbm>>
      tpu.enqueue_indirect_dma source(%dma_start3A_166 : memref<10000x128xf32, #tpu.memory_space<hbm>>) target(%arg8 : memref<128x128xf32, #tpu.memory_space<vmem>>) offsets(%dma_start3A_163 : memref<128xi32, #tpu.memory_space<vmem>>) semaphore(%arg11 : memref<!tpu.dma_semaphore, #tpu.memory_space<semaphore_mem>>)
      "tpu.region"() ({
        %run_scoped3A_180 = tpu.sem_alloc : memref<!tpu.dma_semaphore, #tpu.memory_space<semaphore_mem>>
        %dma_start3A_181 = arith.constant 0 : i32
        %dma_start3A_182 = tpu.memref_slice %arg6[%add3A_151, %dma_start3A_181] : memref<40x128xi32, #tpu.memory_space<vmem>> -> memref<1x128xi32, #tpu.memory_space<vmem>>
        %dma_start3A_183 = tpu.memref_squeeze %dma_start3A_182 : memref<1x128xi32, #tpu.memory_space<vmem>> -> memref<128xi32, #tpu.memory_space<vmem>>
        %dma_start3A_184 = arith.constant 0 : i32
        %dma_start3A_185 = arith.constant 0 : i32
        %dma_start3A_186 = tpu.memref_slice %arg9[%dma_start3A_184, %dma_start3A_185] : memref<10240x128xf32, #tpu.memory_space<vmem_shared>> -> memref<10240x128xf32, #tpu.memory_space<vmem_shared>>
        tpu.enqueue_indirect_dma source(%arg7 : memref<128x128xf32, #tpu.memory_space<vmem>>) target(%dma_start3A_186 : memref<10240x128xf32, #tpu.memory_space<vmem_shared>>) offsets(%dma_start3A_183 : memref<128xi32, #tpu.memory_space<vmem>>) semaphore(%run_scoped3A_180 : memref<!tpu.dma_semaphore, #tpu.memory_space<semaphore_mem>>) {add = true}
        %dma_wait3A_187 = arith.constant 0 : i32
        %dma_wait3A_188 = tpu.memref_slice %arg6[%add3A_151, %dma_wait3A_187] : memref<40x128xi32, #tpu.memory_space<vmem>> -> memref<1x128xi32, #tpu.memory_space<vmem>>
        %dma_wait3A_189 = tpu.memref_squeeze %dma_wait3A_188 : memref<1x128xi32, #tpu.memory_space<vmem>> -> memref<128xi32, #tpu.memory_space<vmem>>
        %dma_wait3A_190 = arith.constant 0 : i32
        %dma_wait3A_191 = arith.constant 0 : i32
        %dma_wait3A_192 = tpu.memref_slice %arg9[%dma_wait3A_190, %dma_wait3A_191] : memref<10240x128xf32, #tpu.memory_space<vmem_shared>> -> memref<10240x128xf32, #tpu.memory_space<vmem_shared>>
        tpu.wait_indirect_dma semaphore(%run_scoped3A_180 : memref<!tpu.dma_semaphore, #tpu.memory_space<semaphore_mem>>) src(%arg7 : memref<128x128xf32, #tpu.memory_space<vmem>>) dst(%dma_wait3A_192 : memref<10240x128xf32, #tpu.memory_space<vmem_shared>>)
        tpu.yield
      }) : () -> ()
      %add3A_167 = arith.constant 2 : i32
      %add3A_168 = arith.addi %add3A_151, %add3A_167 : i32
      %lt3A = arith.constant 40 : i32
      %lt3A_169 = arith.cmpi slt, %add3A_168, %lt3A : i32
      %convert_element_type3A = arith.extui %lt3A_169 : i1 to i32
      %cond3A = arith.constant 0 : i32
      %cond3A_170 = arith.cmpi ne, %convert_element_type3A, %cond3A : i32
      scf.if %cond3A_170 {
        %add3A_180 = arith.constant 2 : i32
        %add3A_181 = arith.addi %add3A_151, %add3A_180 : i32
        %dma_start3A_182 = arith.constant 0 : i32
        %dma_start3A_183 = tpu.memref_slice %arg5[%add3A_181, %dma_start3A_182] : memref<40x128xi32, #tpu.memory_space<vmem>> -> memref<1x128xi32, #tpu.memory_space<vmem>>
        %dma_start3A_184 = tpu.memref_squeeze %dma_start3A_183 : memref<1x128xi32, #tpu.memory_space<vmem>> -> memref<128xi32, #tpu.memory_space<vmem>>
        %dma_start3A_185 = arith.constant 0 : i32
        %dma_start3A_186 = arith.constant 0 : i32
        %dma_start3A_187 = tpu.memref_slice %arg2[%dma_start3A_185, %dma_start3A_186] : memref<10000x128xf32, #tpu.memory_space<hbm>> -> memref<10000x128xf32, #tpu.memory_space<hbm>>
        tpu.enqueue_indirect_dma source(%dma_start3A_187 : memref<10000x128xf32, #tpu.memory_space<hbm>>) target(%arg7 : memref<128x128xf32, #tpu.memory_space<vmem>>) offsets(%dma_start3A_184 : memref<128xi32, #tpu.memory_space<vmem>>) semaphore(%arg10 : memref<!tpu.dma_semaphore, #tpu.memory_space<semaphore_mem>>)
      } else {
      }
      %dma_wait3A_171 = arith.constant 0 : i32
      %dma_wait3A_172 = arith.constant 0 : i32
      %dma_wait3A_173 = tpu.memref_slice %arg5[%dma_wait3A_171, %dma_wait3A_172] : memref<40x128xi32, #tpu.memory_space<vmem>> -> memref<1x128xi32, #tpu.memory_space<vmem>>
      %dma_wait3A_174 = tpu.memref_squeeze %dma_wait3A_173 : memref<1x128xi32, #tpu.memory_space<vmem>> -> memref<128xi32, #tpu.memory_space<vmem>>
      %dma_wait3A_175 = arith.constant 0 : i32
      %dma_wait3A_176 = arith.constant 0 : i32
      %dma_wait3A_177 = tpu.memref_slice %arg2[%dma_wait3A_175, %dma_wait3A_176] : memref<10000x128xf32, #tpu.memory_space<hbm>> -> memref<10000x128xf32, #tpu.memory_space<hbm>>
      tpu.wait_indirect_dma semaphore(%arg11 : memref<!tpu.dma_semaphore, #tpu.memory_space<semaphore_mem>>) src(%dma_wait3A_177 : memref<10000x128xf32, #tpu.memory_space<hbm>>) dst(%arg8 : memref<128x128xf32, #tpu.memory_space<vmem>>)
      %add3A_178 = arith.constant 1 : i32
      %add3A_179 = arith.addi %add3A_151, %add3A_178 : i32
      "tpu.region"() ({
        %run_scoped3A_180 = tpu.sem_alloc : memref<!tpu.dma_semaphore, #tpu.memory_space<semaphore_mem>>
        %dma_start3A_181 = arith.constant 0 : i32
        %dma_start3A_182 = tpu.memref_slice %arg6[%add3A_179, %dma_start3A_181] : memref<40x128xi32, #tpu.memory_space<vmem>> -> memref<1x128xi32, #tpu.memory_space<vmem>>
        %dma_start3A_183 = tpu.memref_squeeze %dma_start3A_182 : memref<1x128xi32, #tpu.memory_space<vmem>> -> memref<128xi32, #tpu.memory_space<vmem>>
        %dma_start3A_184 = arith.constant 0 : i32
        %dma_start3A_185 = arith.constant 0 : i32
        %dma_start3A_186 = tpu.memref_slice %arg9[%dma_start3A_184, %dma_start3A_185] : memref<10240x128xf32, #tpu.memory_space<vmem_shared>> -> memref<10240x128xf32, #tpu.memory_space<vmem_shared>>
        tpu.enqueue_indirect_dma source(%arg8 : memref<128x128xf32, #tpu.memory_space<vmem>>) target(%dma_start3A_186 : memref<10240x128xf32, #tpu.memory_space<vmem_shared>>) offsets(%dma_start3A_183 : memref<128xi32, #tpu.memory_space<vmem>>) semaphore(%run_scoped3A_180 : memref<!tpu.dma_semaphore, #tpu.memory_space<semaphore_mem>>) {add = true}
        %dma_wait3A_187 = arith.constant 0 : i32
        %dma_wait3A_188 = tpu.memref_slice %arg6[%add3A_179, %dma_wait3A_187] : memref<40x128xi32, #tpu.memory_space<vmem>> -> memref<1x128xi32, #tpu.memory_space<vmem>>
        %dma_wait3A_189 = tpu.memref_squeeze %dma_wait3A_188 : memref<1x128xi32, #tpu.memory_space<vmem>> -> memref<128xi32, #tpu.memory_space<vmem>>
        %dma_wait3A_190 = arith.constant 0 : i32
        %dma_wait3A_191 = arith.constant 0 : i32
        %dma_wait3A_192 = tpu.memref_slice %arg9[%dma_wait3A_190, %dma_wait3A_191] : memref<10240x128xf32, #tpu.memory_space<vmem_shared>> -> memref<10240x128xf32, #tpu.memory_space<vmem_shared>>
        tpu.wait_indirect_dma semaphore(%run_scoped3A_180 : memref<!tpu.dma_semaphore, #tpu.memory_space<semaphore_mem>>) src(%arg8 : memref<128x128xf32, #tpu.memory_space<vmem>>) dst(%dma_wait3A_192 : memref<10240x128xf32, #tpu.memory_space<vmem_shared>>)
        tpu.yield
      }) : () -> ()
    }
    %scan3A_141 = arith.constant 20 : i32
    %barrier3A_142 = arith.constant 0 : index
    tpu.barrier barrier_id(%barrier3A_142)
    %mul3A_143 = arith.constant 640 : i32
    %mul3A_144 = arith.muli %arg1, %mul3A_143 : i32
    %mul3A_145 = arith.constant 640 : i32
    %mul3A_146 = arith.muli %arg1, %mul3A_145 : i32
    "tpu.region"() ({
      %run_scoped3A_147 = tpu.sem_alloc : memref<!tpu.dma_semaphore, #tpu.memory_space<semaphore_mem>>
      %dma_start3A_148 = arith.constant 0 : i32
      %dma_start3A_149 = tpu.memref_slice %arg4[%arg0, %mul3A_146, %dma_start3A_148] : memref<2x10240x128xf32, #tpu.memory_space<hbm>> -> memref<1x640x128xf32, #tpu.memory_space<hbm>>
      %dma_start3A_150 = tpu.memref_squeeze %dma_start3A_149 : memref<1x640x128xf32, #tpu.memory_space<hbm>> -> memref<640x128xf32, #tpu.memory_space<hbm>>
      %dma_start3A_151 = arith.constant 0 : i32
      %dma_start3A_152 = tpu.memref_slice %arg9[%mul3A_144, %dma_start3A_151] : memref<10240x128xf32, #tpu.memory_space<vmem_shared>> -> memref<640x128xf32, #tpu.memory_space<vmem_shared>>
      tpu.enqueue_dma source(%dma_start3A_152 : memref<640x128xf32, #tpu.memory_space<vmem_shared>>) target(%dma_start3A_150 : memref<640x128xf32, #tpu.memory_space<hbm>>) target_semaphore(%run_scoped3A_147 : memref<!tpu.dma_semaphore, #tpu.memory_space<semaphore_mem>>)
      %dma_wait3A_153 = arith.constant 0 : i32
      %dma_wait3A_154 = tpu.memref_slice %arg4[%arg0, %mul3A_146, %dma_wait3A_153] : memref<2x10240x128xf32, #tpu.memory_space<hbm>> -> memref<1x640x128xf32, #tpu.memory_space<hbm>>
      %dma_wait3A_155 = tpu.memref_squeeze %dma_wait3A_154 : memref<1x640x128xf32, #tpu.memory_space<hbm>> -> memref<640x128xf32, #tpu.memory_space<hbm>>
      %dma_wait3A_156 = arith.constant 0 : i32
      %dma_wait3A_157 = tpu.memref_slice %arg9[%mul3A_144, %dma_wait3A_156] : memref<10240x128xf32, #tpu.memory_space<vmem_shared>> -> memref<640x128xf32, #tpu.memory_space<vmem_shared>>
      tpu.wait_dma2 semaphore(%run_scoped3A_147 : memref<!tpu.dma_semaphore, #tpu.memory_space<semaphore_mem>>) src(%dma_wait3A_157 : memref<640x128xf32, #tpu.memory_space<vmem_shared>>) dst(%dma_wait3A_155 : memref<640x128xf32, #tpu.memory_space<hbm>>)
      tpu.yield
    }) : () -> ()
    return
  }
}

#map = affine_map<(d0, d1) -> (0, 0)>
#map1 = affine_map<(d0, d1) -> (0, 0, 0)>
module attributes {stable_mosaic.version = 14 : i64} {
  func.func @k(%arg0: i32, %arg1: i32, %arg2: memref<10000x128xf32, #tpu.memory_space<hbm>>, %arg3: memref<2x2560x128xi32, #tpu.memory_space<hbm>>, %arg4: memref<2x10240x128xf32, #tpu.memory_space<hbm>>, %arg5: memref<40x128xi32, #tpu.memory_space<vmem>>, %arg6: memref<40x128xi32, #tpu.memory_space<vmem>>, %arg7: memref<128x128xf32, #tpu.memory_space<vmem>>, %arg8: memref<128x128xf32, #tpu.memory_space<vmem>>, %arg9: memref<10240x128xf32, #tpu.memory_space<vmem_shared>>, %arg10: memref<!tpu.dma_semaphore, #tpu.memory_space<semaphore_mem>>, %arg11: memref<!tpu.dma_semaphore, #tpu.memory_space<semaphore_mem>>) attributes {dimension_semantics = [#tpu.dimension_semantics<core_parallel>, #tpu.dimension_semantics<subcore_parallel>], iteration_bounds = array<i64: 2, 16>, scalar_prefetch = 0 : i64, scratch_operands = 7 : i64, tpu.core_type = #tpu.core_type<sc_vector_subcore>, window_params = [{transform_indices = #map}, {transform_indices = #map1}, {transform_indices = #map1}]} {
    %mul3A = arith.constant 2 : i32
    %mul3A_0 = arith.muli %arg1, %mul3A : i32
    %add3A = arith.addi %mul3A_0, %arg0 : i32
    %scan3A = arith.constant 0 : i32
    %scan3A_1 = arith.constant 128 : i32
    %scan3A_2 = arith.addi %scan3A, %scan3A_1 : i32
    %scan3A_3 = arith.constant 1 : i32
    scf.for %scan3A_147 = %scan3A to %scan3A_2 step %scan3A_3  : i32 {
      %mul3A_148 = arith.constant 1 : i32
      %mul3A_149 = arith.muli %scan3A_147, %mul3A_148 : i32
      %add3A_150 = arith.constant 0 : i32
      %add3A_151 = arith.addi %add3A_150, %mul3A_149 : i32
      %scan3A_152 = arith.constant 0 : i32
      %scan3A_153 = arith.constant 8 : i32
      %scan3A_154 = arith.addi %scan3A_152, %scan3A_153 : i32
      %scan3A_155 = arith.constant 1 : i32
      scf.for %scan3A_157 = %scan3A_152 to %scan3A_154 step %scan3A_155  : i32 {
        %mul3A_158 = arith.constant 16 : i32
        %mul3A_159 = arith.muli %scan3A_157, %mul3A_158 : i32
        %add3A_160 = arith.constant 0 : i32
        %add3A_161 = arith.addi %add3A_160, %mul3A_159 : i32
        %broadcast_in_dim3A = arith.constant 0.000000e+00 : f32
        %broadcast_in_dim3A_162 = vector.broadcast %broadcast_in_dim3A : f32 to vector<16xf32>
        %swap3A = arith.index_cast %add3A_151 : i32 to index
        %swap3A_163 = arith.index_cast %add3A_161 : i32 to index
        %swap3A_164 = tpu.vector_load %arg7[%swap3A, %swap3A_163] {strides = array<i32>} : memref<128x128xf32, #tpu.memory_space<vmem>>, vector<1x16xf32>,
        %swap3A_165 = vector.shape_cast %swap3A_164 : vector<1x16xf32> to vector<16xf32>
        %swap3A_166 = vector.shape_cast %broadcast_in_dim3A_162 : vector<16xf32> to vector<1x16xf32>
        tpu.vector_store %arg7[%swap3A, %swap3A_163], %swap3A_166 {strides = array<i32>} : memref<128x128xf32, #tpu.memory_space<vmem>>, vector<1x16xf32>,
      }
      %scan3A_156 = arith.constant 8 : i32
    }
    %scan3A_4 = arith.constant 128 : i32
    %mul3A_5 = arith.constant 640 : i32
    %mul3A_6 = arith.muli %arg1, %mul3A_5 : i32
    %add3A_7 = arith.constant 0 : i32
    %add3A_8 = arith.addi %mul3A_6, %add3A_7 : i32
    %dma_start3A = arith.constant 0 : i32
    %dma_start3A_9 = tpu.memref_slice %arg9[%add3A_8, %dma_start3A] : memref<10240x128xf32, #tpu.memory_space<vmem_shared>> -> memref<128x128xf32, #tpu.memory_space<vmem_shared>>
    %dma_start3A_10 = arith.constant 0 : i32
    %dma_start3A_11 = tpu.memref_slice %arg9[%add3A_8, %dma_start3A_10] : memref<10240x128xf32, #tpu.memory_space<vmem_shared>> -> memref<128x128xf32, #tpu.memory_space<vmem_shared>>
    tpu.enqueue_dma source(%arg7 : memref<128x128xf32, #tpu.memory_space<vmem>>) target(%dma_start3A_11 : memref<128x128xf32, #tpu.memory_space<vmem_shared>>) target_semaphore(%arg10 : memref<!tpu.dma_semaphore, #tpu.memory_space<semaphore_mem>>)
    %mul3A_12 = arith.constant 640 : i32
    %mul3A_13 = arith.muli %arg1, %mul3A_12 : i32
    %add3A_14 = arith.constant 128 : i32
    %add3A_15 = arith.addi %mul3A_13, %add3A_14 : i32
    %dma_start3A_16 = arith.constant 0 : i32
    %dma_start3A_17 = tpu.memref_slice %arg9[%add3A_15, %dma_start3A_16] : memref<10240x128xf32, #tpu.memory_space<vmem_shared>> -> memref<128x128xf32, #tpu.memory_space<vmem_shared>>
    %dma_start3A_18 = arith.constant 0 : i32
    %dma_start3A_19 = tpu.memref_slice %arg9[%add3A_15, %dma_start3A_18] : memref<10240x128xf32, #tpu.memory_space<vmem_shared>> -> memref<128x128xf32, #tpu.memory_space<vmem_shared>>
    tpu.enqueue_dma source(%arg7 : memref<128x128xf32, #tpu.memory_space<vmem>>) target(%dma_start3A_19 : memref<128x128xf32, #tpu.memory_space<vmem_shared>>) target_semaphore(%arg10 : memref<!tpu.dma_semaphore, #tpu.memory_space<semaphore_mem>>)
    %mul3A_20 = arith.constant 640 : i32
    %mul3A_21 = arith.muli %arg1, %mul3A_20 : i32
    %add3A_22 = arith.constant 256 : i32
    %add3A_23 = arith.addi %mul3A_21, %add3A_22 : i32
    %dma_start3A_24 = arith.constant 0 : i32
    %dma_start3A_25 = tpu.memref_slice %arg9[%add3A_23, %dma_start3A_24] : memref<10240x128xf32, #tpu.memory_space<vmem_shared>> -> memref<128x128xf32, #tpu.memory_space<vmem_shared>>
    %dma_start3A_26 = arith.constant 0 : i32
    %dma_start3A_27 = tpu.memref_slice %arg9[%add3A_23, %dma_start3A_26] : memref<10240x128xf32, #tpu.memory_space<vmem_shared>> -> memref<128x128xf32, #tpu.memory_space<vmem_shared>>
    tpu.enqueue_dma source(%arg7 : memref<128x128xf32, #tpu.memory_space<vmem>>) target(%dma_start3A_27 : memref<128x128xf32, #tpu.memory_space<vmem_shared>>) target_semaphore(%arg10 : memref<!tpu.dma_semaphore, #tpu.memory_space<semaphore_mem>>)
    %mul3A_28 = arith.constant 640 : i32
    %mul3A_29 = arith.muli %arg1, %mul3A_28 : i32
    %add3A_30 = arith.constant 384 : i32
    %add3A_31 = arith.addi %mul3A_29, %add3A_30 : i32
    %dma_start3A_32 = arith.constant 0 : i32
    %dma_start3A_33 = tpu.memref_slice %arg9[%add3A_31, %dma_start3A_32] : memref<10240x128xf32, #tpu.memory_space<vmem_shared>> -> memref<128x128xf32, #tpu.memory_space<vmem_shared>>
    %dma_start3A_34 = arith.constant 0 : i32
    %dma_start3A_35 = tpu.memref_slice %arg9[%add3A_31, %dma_start3A_34] : memref<10240x128xf32, #tpu.memory_space<vmem_shared>> -> memref<128x128xf32, #tpu.memory_space<vmem_shared>>
    tpu.enqueue_dma source(%arg7 : memref<128x128xf32, #tpu.memory_space<vmem>>) target(%dma_start3A_35 : memref<128x128xf32, #tpu.memory_space<vmem_shared>>) target_semaphore(%arg10 : memref<!tpu.dma_semaphore, #tpu.memory_space<semaphore_mem>>)
    %mul3A_36 = arith.constant 640 : i32
    %mul3A_37 = arith.muli %arg1, %mul3A_36 : i32
    %add3A_38 = arith.constant 512 : i32
    %add3A_39 = arith.addi %mul3A_37, %add3A_38 : i32
    %dma_start3A_40 = arith.constant 0 : i32
    %dma_start3A_41 = tpu.memref_slice %arg9[%add3A_39, %dma_start3A_40] : memref<10240x128xf32, #tpu.memory_space<vmem_shared>> -> memref<128x128xf32, #tpu.memory_space<vmem_shared>>
    %dma_start3A_42 = arith.constant 0 : i32
    %dma_start3A_43 = tpu.memref_slice %arg9[%add3A_39, %dma_start3A_42] : memref<10240x128xf32, #tpu.memory_space<vmem_shared>> -> memref<128x128xf32, #tpu.memory_space<vmem_shared>>
    tpu.enqueue_dma source(%arg7 : memref<128x128xf32, #tpu.memory_space<vmem>>) target(%dma_start3A_43 : memref<128x128xf32, #tpu.memory_space<vmem_shared>>) target_semaphore(%arg10 : memref<!tpu.dma_semaphore, #tpu.memory_space<semaphore_mem>>)
    %mul3A_44 = arith.constant 80 : i32
    %mul3A_45 = arith.muli %add3A, %mul3A_44 : i32
    %dma_start3A_46 = arith.constant 0 : i32
    %dma_start3A_47 = arith.constant 0 : i32
    %dma_start3A_48 = tpu.memref_slice %arg3[%dma_start3A_46, %mul3A_45, %dma_start3A_47] : memref<2x2560x128xi32, #tpu.memory_space<hbm>> -> memref<1x40x128xi32, #tpu.memory_space<hbm>>
    %dma_start3A_49 = tpu.memref_squeeze %dma_start3A_48 : memref<1x40x128xi32, #tpu.memory_space<hbm>> -> memref<40x128xi32, #tpu.memory_space<hbm>>
    %dma_start3A_50 = arith.constant 0 : i32
    %dma_start3A_51 = tpu.memref_slice %arg3[%dma_start3A_46, %mul3A_45, %dma_start3A_50] : memref<2x2560x128xi32, #tpu.memory_space<hbm>> -> memref<1x40x128xi32, #tpu.memory_space<hbm>>
    %dma_start3A_52 = tpu.memref_squeeze %dma_start3A_51 : memref<1x40x128xi32, #tpu.memory_space<hbm>> -> memref<40x128xi32, #tpu.memory_space<hbm>>
    tpu.enqueue_dma source(%dma_start3A_52 : memref<40x128xi32, #tpu.memory_space<hbm>>) target(%arg5 : memref<40x128xi32, #tpu.memory_space<vmem>>) target_semaphore(%arg11 : memref<!tpu.dma_semaphore, #tpu.memory_space<semaphore_mem>>)
    %mul3A_53 = arith.constant 80 : i32
    %mul3A_54 = arith.muli %add3A, %mul3A_53 : i32
    %dma_start3A_55 = arith.constant 1 : i32
    %dma_start3A_56 = arith.constant 0 : i32
    %dma_start3A_57 = tpu.memref_slice %arg3[%dma_start3A_55, %mul3A_54, %dma_start3A_56] : memref<2x2560x128xi32, #tpu.memory_space<hbm>> -> memref<1x40x128xi32, #tpu.memory_space<hbm>>
    %dma_start3A_58 = tpu.memref_squeeze %dma_start3A_57 : memref<1x40x128xi32, #tpu.memory_space<hbm>> -> memref<40x128xi32, #tpu.memory_space<hbm>>
    %dma_start3A_59 = arith.constant 0 : i32
    %dma_start3A_60 = tpu.memref_slice %arg3[%dma_start3A_55, %mul3A_54, %dma_start3A_59] : memref<2x2560x128xi32, #tpu.memory_space<hbm>> -> memref<1x40x128xi32, #tpu.memory_space<hbm>>
    %dma_start3A_61 = tpu.memref_squeeze %dma_start3A_60 : memref<1x40x128xi32, #tpu.memory_space<hbm>> -> memref<40x128xi32, #tpu.memory_space<hbm>>
    tpu.enqueue_dma source(%dma_start3A_61 : memref<40x128xi32, #tpu.memory_space<hbm>>) target(%arg6 : memref<40x128xi32, #tpu.memory_space<vmem>>) target_semaphore(%arg11 : memref<!tpu.dma_semaphore, #tpu.memory_space<semaphore_mem>>)
    %dma_wait3A = arith.constant 0 : i32
    %dma_wait3A_62 = arith.constant 0 : i32
    %dma_wait3A_63 = tpu.memref_slice %arg9[%dma_wait3A, %dma_wait3A_62] : memref<10240x128xf32, #tpu.memory_space<vmem_shared>> -> memref<128x128xf32, #tpu.memory_space<vmem_shared>>
    %dma_wait3A_64 = arith.constant 0 : i32
    %dma_wait3A_65 = arith.constant 0 : i32
    %dma_wait3A_66 = tpu.memref_slice %arg9[%dma_wait3A_64, %dma_wait3A_65] : memref<10240x128xf32, #tpu.memory_space<vmem_shared>> -> memref<128x128xf32, #tpu.memory_space<vmem_shared>>
    tpu.wait_dma2 semaphore(%arg10 : memref<!tpu.dma_semaphore, #tpu.memory_space<semaphore_mem>>) src(%arg7 : memref<128x128xf32, #tpu.memory_space<vmem>>) dst(%dma_wait3A_66 : memref<128x128xf32, #tpu.memory_space<vmem_shared>>)
    %dma_wait3A_67 = arith.constant 0 : i32
    %dma_wait3A_68 = arith.constant 0 : i32
    %dma_wait3A_69 = tpu.memref_slice %arg9[%dma_wait3A_67, %dma_wait3A_68] : memref<10240x128xf32, #tpu.memory_space<vmem_shared>> -> memref<128x128xf32, #tpu.memory_space<vmem_shared>>
    %dma_wait3A_70 = arith.constant 0 : i32
    %dma_wait3A_71 = arith.constant 0 : i32
    %dma_wait3A_72 = tpu.memref_slice %arg9[%dma_wait3A_70, %dma_wait3A_71] : memref<10240x128xf32, #tpu.memory_space<vmem_shared>> -> memref<128x128xf32, #tpu.memory_space<vmem_shared>>
    tpu.wait_dma2 semaphore(%arg10 : memref<!tpu.dma_semaphore, #tpu.memory_space<semaphore_mem>>) src(%arg7 : memref<128x128xf32, #tpu.memory_space<vmem>>) dst(%dma_wait3A_72 : memref<128x128xf32, #tpu.memory_space<vmem_shared>>)
    %dma_wait3A_73 = arith.constant 0 : i32
    %dma_wait3A_74 = arith.constant 0 : i32
    %dma_wait3A_75 = tpu.memref_slice %arg9[%dma_wait3A_73, %dma_wait3A_74] : memref<10240x128xf32, #tpu.memory_space<vmem_shared>> -> memref<128x128xf32, #tpu.memory_space<vmem_shared>>
    %dma_wait3A_76 = arith.constant 0 : i32
    %dma_wait3A_77 = arith.constant 0 : i32
    %dma_wait3A_78 = tpu.memref_slice %arg9[%dma_wait3A_76, %dma_wait3A_77] : memref<10240x128xf32, #tpu.memory_space<vmem_shared>> -> memref<128x128xf32, #tpu.memory_space<vmem_shared>>
    tpu.wait_dma2 semaphore(%arg10 : memref<!tpu.dma_semaphore, #tpu.memory_space<semaphore_mem>>) src(%arg7 : memref<128x128xf32, #tpu.memory_space<vmem>>) dst(%dma_wait3A_78 : memref<128x128xf32, #tpu.memory_space<vmem_shared>>)
    %dma_wait3A_79 = arith.constant 0 : i32
    %dma_wait3A_80 = arith.constant 0 : i32
    %dma_wait3A_81 = tpu.memref_slice %arg9[%dma_wait3A_79, %dma_wait3A_80] : memref<10240x128xf32, #tpu.memory_space<vmem_shared>> -> memref<128x128xf32, #tpu.memory_space<vmem_shared>>
    %dma_wait3A_82 = arith.constant 0 : i32
    %dma_wait3A_83 = arith.constant 0 : i32
    %dma_wait3A_84 = tpu.memref_slice %arg9[%dma_wait3A_82, %dma_wait3A_83] : memref<10240x128xf32, #tpu.memory_space<vmem_shared>> -> memref<128x128xf32, #tpu.memory_space<vmem_shared>>
    tpu.wait_dma2 semaphore(%arg10 : memref<!tpu.dma_semaphore, #tpu.memory_space<semaphore_mem>>) src(%arg7 : memref<128x128xf32, #tpu.memory_space<vmem>>) dst(%dma_wait3A_84 : memref<128x128xf32, #tpu.memory_space<vmem_shared>>)
    %dma_wait3A_85 = arith.constant 0 : i32
    %dma_wait3A_86 = arith.constant 0 : i32
    %dma_wait3A_87 = tpu.memref_slice %arg9[%dma_wait3A_85, %dma_wait3A_86] : memref<10240x128xf32, #tpu.memory_space<vmem_shared>> -> memref<128x128xf32, #tpu.memory_space<vmem_shared>>
    %dma_wait3A_88 = arith.constant 0 : i32
    %dma_wait3A_89 = arith.constant 0 : i32
    %dma_wait3A_90 = tpu.memref_slice %arg9[%dma_wait3A_88, %dma_wait3A_89] : memref<10240x128xf32, #tpu.memory_space<vmem_shared>> -> memref<128x128xf32, #tpu.memory_space<vmem_shared>>
    tpu.wait_dma2 semaphore(%arg10 : memref<!tpu.dma_semaphore, #tpu.memory_space<semaphore_mem>>) src(%arg7 : memref<128x128xf32, #tpu.memory_space<vmem>>) dst(%dma_wait3A_90 : memref<128x128xf32, #tpu.memory_space<vmem_shared>>)
    %dma_wait3A_91 = arith.constant 0 : i32
    %dma_wait3A_92 = arith.constant 0 : i32
    %dma_wait3A_93 = arith.constant 0 : i32
    %dma_wait3A_94 = tpu.memref_slice %arg3[%dma_wait3A_91, %dma_wait3A_92, %dma_wait3A_93] : memref<2x2560x128xi32, #tpu.memory_space<hbm>> -> memref<1x40x128xi32, #tpu.memory_space<hbm>>
    %dma_wait3A_95 = tpu.memref_squeeze %dma_wait3A_94 : memref<1x40x128xi32, #tpu.memory_space<hbm>> -> memref<40x128xi32, #tpu.memory_space<hbm>>
    %dma_wait3A_96 = arith.constant 0 : i32
    %dma_wait3A_97 = arith.constant 0 : i32
    %dma_wait3A_98 = tpu.memref_slice %arg3[%dma_wait3A_91, %dma_wait3A_96, %dma_wait3A_97] : memref<2x2560x128xi32, #tpu.memory_space<hbm>> -> memref<1x40x128xi32, #tpu.memory_space<hbm>>
    %dma_wait3A_99 = tpu.memref_squeeze %dma_wait3A_98 : memref<1x40x128xi32, #tpu.memory_space<hbm>> -> memref<40x128xi32, #tpu.memory_space<hbm>>
    tpu.wait_dma2 semaphore(%arg11 : memref<!tpu.dma_semaphore, #tpu.memory_space<semaphore_mem>>) src(%dma_wait3A_99 : memref<40x128xi32, #tpu.memory_space<hbm>>) dst(%arg5 : memref<40x128xi32, #tpu.memory_space<vmem>>)
    %dma_wait3A_100 = arith.constant 1 : i32
    %dma_wait3A_101 = arith.constant 0 : i32
    %dma_wait3A_102 = arith.constant 0 : i32
    %dma_wait3A_103 = tpu.memref_slice %arg3[%dma_wait3A_100, %dma_wait3A_101, %dma_wait3A_102] : memref<2x2560x128xi32, #tpu.memory_space<hbm>> -> memref<1x40x128xi32, #tpu.memory_space<hbm>>
    %dma_wait3A_104 = tpu.memref_squeeze %dma_wait3A_103 : memref<1x40x128xi32, #tpu.memory_space<hbm>> -> memref<40x128xi32, #tpu.memory_space<hbm>>
    %dma_wait3A_105 = arith.constant 0 : i32
    %dma_wait3A_106 = arith.constant 0 : i32
    %dma_wait3A_107 = tpu.memref_slice %arg3[%dma_wait3A_100, %dma_wait3A_105, %dma_wait3A_106] : memref<2x2560x128xi32, #tpu.memory_space<hbm>> -> memref<1x40x128xi32, #tpu.memory_space<hbm>>
    %dma_wait3A_108 = tpu.memref_squeeze %dma_wait3A_107 : memref<1x40x128xi32, #tpu.memory_space<hbm>> -> memref<40x128xi32, #tpu.memory_space<hbm>>
    tpu.wait_dma2 semaphore(%arg11 : memref<!tpu.dma_semaphore, #tpu.memory_space<semaphore_mem>>) src(%dma_wait3A_108 : memref<40x128xi32, #tpu.memory_space<hbm>>) dst(%arg6 : memref<40x128xi32, #tpu.memory_space<vmem>>)
    %barrier3A = arith.constant 0 : index
    tpu.barrier barrier_id(%barrier3A)
    %dma_start3A_109 = arith.constant 0 : i32
    %dma_start3A_110 = arith.constant 0 : i32
    %dma_start3A_111 = tpu.memref_slice %arg5[%dma_start3A_109, %dma_start3A_110] : memref<40x128xi32, #tpu.memory_space<vmem>> -> memref<1x128xi32, #tpu.memory_space<vmem>>
    %dma_start3A_112 = tpu.memref_squeeze %dma_start3A_111 : memref<1x128xi32, #tpu.memory_space<vmem>> -> memref<128xi32, #tpu.memory_space<vmem>>
    %dma_start3A_113 = arith.constant 0 : i32
    %dma_start3A_114 = arith.constant 0 : i32
    %dma_start3A_115 = tpu.memref_slice %arg2[%dma_start3A_113, %dma_start3A_114] : memref<10000x128xf32, #tpu.memory_space<hbm>> -> memref<10000x128xf32, #tpu.memory_space<hbm>>
    tpu.enqueue_indirect_dma source(%dma_start3A_115 : memref<10000x128xf32, #tpu.memory_space<hbm>>) target(%arg7 : memref<128x128xf32, #tpu.memory_space<vmem>>) offsets(%dma_start3A_112 : memref<128xi32, #tpu.memory_space<vmem>>) semaphore(%arg10 : memref<!tpu.dma_semaphore, #tpu.memory_space<semaphore_mem>>)
    %scan3A_116 = arith.constant 0 : i32
    %scan3A_117 = arith.constant 20 : i32
    %scan3A_118 = arith.addi %scan3A_116, %scan3A_117 : i32
    %scan3A_119 = arith.constant 1 : i32
    scf.for %scan3A_147 = %scan3A_116 to %scan3A_118 step %scan3A_119  : i32 {
      %mul3A_148 = arith.constant 2 : i32
      %mul3A_149 = arith.muli %scan3A_147, %mul3A_148 : i32
      %add3A_150 = arith.constant 0 : i32
      %add3A_151 = arith.addi %add3A_150, %mul3A_149 : i32
      %dma_wait3A_152 = arith.constant 0 : i32
      %dma_wait3A_153 = arith.constant 0 : i32
      %dma_wait3A_154 = tpu.memref_slice %arg5[%dma_wait3A_152, %dma_wait3A_153] : memref<40x128xi32, #tpu.memory_space<vmem>> -> memref<1x128xi32, #tpu.memory_space<vmem>>
      %dma_wait3A_155 = tpu.memref_squeeze %dma_wait3A_154 : memref<1x128xi32, #tpu.memory_space<vmem>> -> memref<128xi32, #tpu.memory_space<vmem>>
      %dma_wait3A_156 = arith.constant 0 : i32
      %dma_wait3A_157 = arith.constant 0 : i32
      %dma_wait3A_158 = tpu.memref_slice %arg2[%dma_wait3A_156, %dma_wait3A_157] : memref<10000x128xf32, #tpu.memory_space<hbm>> -> memref<10000x128xf32, #tpu.memory_space<hbm>>
      tpu.wait_indirect_dma semaphore(%arg10 : memref<!tpu.dma_semaphore, #tpu.memory_space<semaphore_mem>>) src(%dma_wait3A_158 : memref<10000x128xf32, #tpu.memory_space<hbm>>) dst(%arg7 : memref<128x128xf32, #tpu.memory_space<vmem>>)
      %add3A_159 = arith.constant 1 : i32
      %add3A_160 = arith.addi %add3A_151, %add3A_159 : i32
      %dma_start3A_161 = arith.constant 0 : i32
      %dma_start3A_162 = tpu.memref_slice %arg5[%add3A_160, %dma_start3A_161] : memref<40x128xi32, #tpu.memory_space<vmem>> -> memref<1x128xi32, #tpu.memory_space<vmem>>
      %dma_start3A_163 = tpu.memref_squeeze %dma_start3A_162 : memref<1x128xi32, #tpu.memory_space<vmem>> -> memref<128xi32, #tpu.memory_space<vmem>>
      %dma_start3A_164 = arith.constant 0 : i32
      %dma_start3A_165 = arith.constant 0 : i32
      %dma_start3A_166 = tpu.memref_slice %arg2[%dma_start3A_164, %dma_start3A_165] : memref<10000x128xf32, #tpu.memory_space<hbm>> -> memref<10000x128xf32, #tpu.memory_space<hbm>>
      tpu.enqueue_indirect_dma source(%dma_start3A_166 : memref<10000x128xf32, #tpu.memory_space<hbm>>) target(%arg8 : memref<128x128xf32, #tpu.memory_space<vmem>>) offsets(%dma_start3A_163 : memref<128xi32, #tpu.memory_space<vmem>>) semaphore(%arg11 : memref<!tpu.dma_semaphore, #tpu.memory_space<semaphore_mem>>)
      "tpu.region"() ({
        %run_scoped3A_180 = tpu.sem_alloc : memref<!tpu.dma_semaphore, #tpu.memory_space<semaphore_mem>>
        %dma_start3A_181 = arith.constant 0 : i32
        %dma_start3A_182 = tpu.memref_slice %arg6[%add3A_151, %dma_start3A_181] : memref<40x128xi32, #tpu.memory_space<vmem>> -> memref<1x128xi32, #tpu.memory_space<vmem>>
        %dma_start3A_183 = tpu.memref_squeeze %dma_start3A_182 : memref<1x128xi32, #tpu.memory_space<vmem>> -> memref<128xi32, #tpu.memory_space<vmem>>
        %dma_start3A_184 = arith.constant 0 : i32
        %dma_start3A_185 = arith.constant 0 : i32
        %dma_start3A_186 = tpu.memref_slice %arg9[%dma_start3A_184, %dma_start3A_185] : memref<10240x128xf32, #tpu.memory_space<vmem_shared>> -> memref<10240x128xf32, #tpu.memory_space<vmem_shared>>
        tpu.enqueue_indirect_dma source(%arg7 : memref<128x128xf32, #tpu.memory_space<vmem>>) target(%dma_start3A_186 : memref<10240x128xf32, #tpu.memory_space<vmem_shared>>) offsets(%dma_start3A_183 : memref<128xi32, #tpu.memory_space<vmem>>) semaphore(%run_scoped3A_180 : memref<!tpu.dma_semaphore, #tpu.memory_space<semaphore_mem>>) {add = true}
        %dma_wait3A_187 = arith.constant 0 : i32
        %dma_wait3A_188 = tpu.memref_slice %arg6[%add3A_151, %dma_wait3A_187] : memref<40x128xi32, #tpu.memory_space<vmem>> -> memref<1x128xi32, #tpu.memory_space<vmem>>
        %dma_wait3A_189 = tpu.memref_squeeze %dma_wait3A_188 : memref<1x128xi32, #tpu.memory_space<vmem>> -> memref<128xi32, #tpu.memory_space<vmem>>
        %dma_wait3A_190 = arith.constant 0 : i32
        %dma_wait3A_191 = arith.constant 0 : i32
        %dma_wait3A_192 = tpu.memref_slice %arg9[%dma_wait3A_190, %dma_wait3A_191] : memref<10240x128xf32, #tpu.memory_space<vmem_shared>> -> memref<10240x128xf32, #tpu.memory_space<vmem_shared>>
        tpu.wait_indirect_dma semaphore(%run_scoped3A_180 : memref<!tpu.dma_semaphore, #tpu.memory_space<semaphore_mem>>) src(%arg7 : memref<128x128xf32, #tpu.memory_space<vmem>>) dst(%dma_wait3A_192 : memref<10240x128xf32, #tpu.memory_space<vmem_shared>>)
        tpu.yield
      }) : () -> ()
      %add3A_167 = arith.constant 2 : i32
      %add3A_168 = arith.addi %add3A_151, %add3A_167 : i32
      %lt3A = arith.constant 40 : i32
      %lt3A_169 = arith.cmpi slt, %add3A_168, %lt3A : i32
      %convert_element_type3A = arith.extui %lt3A_169 : i1 to i32
      %cond3A = arith.constant 0 : i32
      %cond3A_170 = arith.cmpi ne, %convert_element_type3A, %cond3A : i32
      scf.if %cond3A_170 {
        %add3A_180 = arith.constant 2 : i32
        %add3A_181 = arith.addi %add3A_151, %add3A_180 : i32
        %dma_start3A_182 = arith.constant 0 : i32
        %dma_start3A_183 = tpu.memref_slice %arg5[%add3A_181, %dma_start3A_182] : memref<40x128xi32, #tpu.memory_space<vmem>> -> memref<1x128xi32, #tpu.memory_space<vmem>>
        %dma_start3A_184 = tpu.memref_squeeze %dma_start3A_183 : memref<1x128xi32, #tpu.memory_space<vmem>> -> memref<128xi32, #tpu.memory_space<vmem>>
        %dma_start3A_185 = arith.constant 0 : i32
        %dma_start3A_186 = arith.constant 0 : i32
        %dma_start3A_187 = tpu.memref_slice %arg2[%dma_start3A_185, %dma_start3A_186] : memref<10000x128xf32, #tpu.memory_space<hbm>> -> memref<10000x128xf32, #tpu.memory_space<hbm>>
        tpu.enqueue_indirect_dma source(%dma_start3A_187 : memref<10000x128xf32, #tpu.memory_space<hbm>>) target(%arg7 : memref<128x128xf32, #tpu.memory_space<vmem>>) offsets(%dma_start3A_184 : memref<128xi32, #tpu.memory_space<vmem>>) semaphore(%arg10 : memref<!tpu.dma_semaphore, #tpu.memory_space<semaphore_mem>>)
      } else {
      }
      %dma_wait3A_171 = arith.constant 0 : i32
      %dma_wait3A_172 = arith.constant 0 : i32
      %dma_wait3A_173 = tpu.memref_slice %arg5[%dma_wait3A_171, %dma_wait3A_172] : memref<40x128xi32, #tpu.memory_space<vmem>> -> memref<1x128xi32, #tpu.memory_space<vmem>>
      %dma_wait3A_174 = tpu.memref_squeeze %dma_wait3A_173 : memref<1x128xi32, #tpu.memory_space<vmem>> -> memref<128xi32, #tpu.memory_space<vmem>>
      %dma_wait3A_175 = arith.constant 0 : i32
      %dma_wait3A_176 = arith.constant 0 : i32
      %dma_wait3A_177 = tpu.memref_slice %arg2[%dma_wait3A_175, %dma_wait3A_176] : memref<10000x128xf32, #tpu.memory_space<hbm>> -> memref<10000x128xf32, #tpu.memory_space<hbm>>
      tpu.wait_indirect_dma semaphore(%arg11 : memref<!tpu.dma_semaphore, #tpu.memory_space<semaphore_mem>>) src(%dma_wait3A_177 : memref<10000x128xf32, #tpu.memory_space<hbm>>) dst(%arg8 : memref<128x128xf32, #tpu.memory_space<vmem>>)
      %add3A_178 = arith.constant 1 : i32
      %add3A_179 = arith.addi %add3A_151, %add3A_178 : i32
      "tpu.region"() ({
        %run_scoped3A_180 = tpu.sem_alloc : memref<!tpu.dma_semaphore, #tpu.memory_space<semaphore_mem>>
        %dma_start3A_181 = arith.constant 0 : i32
        %dma_start3A_182 = tpu.memref_slice %arg6[%add3A_179, %dma_start3A_181] : memref<40x128xi32, #tpu.memory_space<vmem>> -> memref<1x128xi32, #tpu.memory_space<vmem>>
        %dma_start3A_183 = tpu.memref_squeeze %dma_start3A_182 : memref<1x128xi32, #tpu.memory_space<vmem>> -> memref<128xi32, #tpu.memory_space<vmem>>
        %dma_start3A_184 = arith.constant 0 : i32
        %dma_start3A_185 = arith.constant 0 : i32
        %dma_start3A_186 = tpu.memref_slice %arg9[%dma_start3A_184, %dma_start3A_185] : memref<10240x128xf32, #tpu.memory_space<vmem_shared>> -> memref<10240x128xf32, #tpu.memory_space<vmem_shared>>
        tpu.enqueue_indirect_dma source(%arg8 : memref<128x128xf32, #tpu.memory_space<vmem>>) target(%dma_start3A_186 : memref<10240x128xf32, #tpu.memory_space<vmem_shared>>) offsets(%dma_start3A_183 : memref<128xi32, #tpu.memory_space<vmem>>) semaphore(%run_scoped3A_180 : memref<!tpu.dma_semaphore, #tpu.memory_space<semaphore_mem>>) {add = true}
        %dma_wait3A_187 = arith.constant 0 : i32
        %dma_wait3A_188 = tpu.memref_slice %arg6[%add3A_179, %dma_wait3A_187] : memref<40x128xi32, #tpu.memory_space<vmem>> -> memref<1x128xi32, #tpu.memory_space<vmem>>
        %dma_wait3A_189 = tpu.memref_squeeze %dma_wait3A_188 : memref<1x128xi32, #tpu.memory_space<vmem>> -> memref<128xi32, #tpu.memory_space<vmem>>
        %dma_wait3A_190 = arith.constant 0 : i32
        %dma_wait3A_191 = arith.constant 0 : i32
        %dma_wait3A_192 = tpu.memref_slice %arg9[%dma_wait3A_190, %dma_wait3A_191] : memref<10240x128xf32, #tpu.memory_space<vmem_shared>> -> memref<10240x128xf32, #tpu.memory_space<vmem_shared>>
        tpu.wait_indirect_dma semaphore(%run_scoped3A_180 : memref<!tpu.dma_semaphore, #tpu.memory_space<semaphore_mem>>) src(%arg8 : memref<128x128xf32, #tpu.memory_space<vmem>>) dst(%dma_wait3A_192 : memref<10240x128xf32, #tpu.memory_space<vmem_shared>>)
        tpu.yield
      }) : () -> ()
    }
    %scan3A_120 = arith.constant 20 : i32
    %mul3A_121 = arith.constant 80 : i32
    %mul3A_122 = arith.muli %add3A, %mul3A_121 : i32
    %add3A_123 = arith.constant 40 : i32
    %add3A_124 = arith.addi %mul3A_122, %add3A_123 : i32
    %run_scoped3A = arith.constant 0 : i32
    "tpu.region"() ({
      %run_scoped3A_147 = tpu.sem_alloc : memref<!tpu.dma_semaphore, #tpu.memory_space<semaphore_mem>>
      %dma_start3A_148 = arith.constant 0 : i32
      %dma_start3A_149 = tpu.memref_slice %arg3[%run_scoped3A, %add3A_124, %dma_start3A_148] : memref<2x2560x128xi32, #tpu.memory_space<hbm>> -> memref<1x40x128xi32, #tpu.memory_space<hbm>>
      %dma_start3A_150 = tpu.memref_squeeze %dma_start3A_149 : memref<1x40x128xi32, #tpu.memory_space<hbm>> -> memref<40x128xi32, #tpu.memory_space<hbm>>
      %dma_start3A_151 = arith.constant 0 : i32
      %dma_start3A_152 = tpu.memref_slice %arg3[%run_scoped3A, %add3A_124, %dma_start3A_151] : memref<2x2560x128xi32, #tpu.memory_space<hbm>> -> memref<1x40x128xi32, #tpu.memory_space<hbm>>
      %dma_start3A_153 = tpu.memref_squeeze %dma_start3A_152 : memref<1x40x128xi32, #tpu.memory_space<hbm>> -> memref<40x128xi32, #tpu.memory_space<hbm>>
      tpu.enqueue_dma source(%dma_start3A_153 : memref<40x128xi32, #tpu.memory_space<hbm>>) target(%arg5 : memref<40x128xi32, #tpu.memory_space<vmem>>) target_semaphore(%run_scoped3A_147 : memref<!tpu.dma_semaphore, #tpu.memory_space<semaphore_mem>>)
      %dma_wait3A_154 = arith.constant 0 : i32
      %dma_wait3A_155 = tpu.memref_slice %arg3[%run_scoped3A, %add3A_124, %dma_wait3A_154] : memref<2x2560x128xi32, #tpu.memory_space<hbm>> -> memref<1x40x128xi32, #tpu.memory_space<hbm>>
      %dma_wait3A_156 = tpu.memref_squeeze %dma_wait3A_155 : memref<1x40x128xi32, #tpu.memory_space<hbm>> -> memref<40x128xi32, #tpu.memory_space<hbm>>
      %dma_wait3A_157 = arith.constant 0 : i32
      %dma_wait3A_158 = tpu.memref_slice %arg3[%run_scoped3A, %add3A_124, %dma_wait3A_157] : memref<2x2560x128xi32, #tpu.memory_space<hbm>> -> memref<1x40x128xi32, #tpu.memory_space<hbm>>
      %dma_wait3A_159 = tpu.memref_squeeze %dma_wait3A_158 : memref<1x40x128xi32, #tpu.memory_space<hbm>> -> memref<40x128xi32, #tpu.memory_space<hbm>>
      tpu.wait_dma2 semaphore(%run_scoped3A_147 : memref<!tpu.dma_semaphore, #tpu.memory_space<semaphore_mem>>) src(%dma_wait3A_159 : memref<40x128xi32, #tpu.memory_space<hbm>>) dst(%arg5 : memref<40x128xi32, #tpu.memory_space<vmem>>)
      tpu.yield
    }) : () -> ()
    %mul3A_125 = arith.constant 80 : i32
    %mul3A_126 = arith.muli %add3A, %mul3A_125 : i32
    %add3A_127 = arith.constant 40 : i32
    %add3A_128 = arith.addi %mul3A_126, %add3A_127 : i32
    %run_scoped3A_129 = arith.constant 1 : i32
    "tpu.region"() ({
      %run_scoped3A_147 = tpu.sem_alloc : memref<!tpu.dma_semaphore, #tpu.memory_space<semaphore_mem>>
      %dma_start3A_148 = arith.constant 0 : i32
      %dma_start3A_149 = tpu.memref_slice %arg3[%run_scoped3A_129, %add3A_128, %dma_start3A_148] : memref<2x2560x128xi32, #tpu.memory_space<hbm>> -> memref<1x40x128xi32, #tpu.memory_space<hbm>>
      %dma_start3A_150 = tpu.memref_squeeze %dma_start3A_149 : memref<1x40x128xi32, #tpu.memory_space<hbm>> -> memref<40x128xi32, #tpu.memory_space<hbm>>
      %dma_start3A_151 = arith.constant 0 : i32
      %dma_start3A_152 = tpu.memref_slice %arg3[%run_scoped3A_129, %add3A_128, %dma_start3A_151] : memref<2x2560x128xi32, #tpu.memory_space<hbm>> -> memref<1x40x128xi32, #tpu.memory_space<hbm>>
      %dma_start3A_153 = tpu.memref_squeeze %dma_start3A_152 : memref<1x40x128xi32, #tpu.memory_space<hbm>> -> memref<40x128xi32, #tpu.memory_space<hbm>>
      tpu.enqueue_dma source(%dma_start3A_153 : memref<40x128xi32, #tpu.memory_space<hbm>>) target(%arg6 : memref<40x128xi32, #tpu.memory_space<vmem>>) target_semaphore(%run_scoped3A_147 : memref<!tpu.dma_semaphore, #tpu.memory_space<semaphore_mem>>)
      %dma_wait3A_154 = arith.constant 0 : i32
      %dma_wait3A_155 = tpu.memref_slice %arg3[%run_scoped3A_129, %add3A_128, %dma_wait3A_154] : memref<2x2560x128xi32, #tpu.memory_space<hbm>> -> memref<1x40x128xi32, #tpu.memory_space<hbm>>
      %dma_wait3A_156 = tpu.memref_squeeze %dma_wait3A_155 : memref<1x40x128xi32, #tpu.memory_space<hbm>> -> memref<40x128xi32, #tpu.memory_space<hbm>>
      %dma_wait3A_157 = arith.constant 0 : i32
      %dma_wait3A_158 = tpu.memref_slice %arg3[%run_scoped3A_129, %add3A_128, %dma_wait3A_157] : memref<2x2560x128xi32, #tpu.memory_space<hbm>> -> memref<1x40x128xi32, #tpu.memory_space<hbm>>
      %dma_wait3A_159 = tpu.memref_squeeze %dma_wait3A_158 : memref<1x40x128xi32, #tpu.memory_space<hbm>> -> memref<40x128xi32, #tpu.memory_space<hbm>>
      tpu.wait_dma2 semaphore(%run_scoped3A_147 : memref<!tpu.dma_semaphore, #tpu.memory_space<semaphore_mem>>) src(%dma_wait3A_159 : memref<40x128xi32, #tpu.memory_space<hbm>>) dst(%arg6 : memref<40x128xi32, #tpu.memory_space<vmem>>)
      tpu.yield
    }) : () -> ()
    %dma_start3A_130 = arith.constant 0 : i32
    %dma_start3A_131 = arith.constant 0 : i32
    %dma_start3A_132 = tpu.memref_slice %arg5[%dma_start3A_130, %dma_start3A_131] : memref<40x128xi32, #tpu.memory_space<vmem>> -> memref<1x128xi32, #tpu.memory_space<vmem>>
    %dma_start3A_133 = tpu.memref_squeeze %dma_start3A_132 : memref<1x128xi32, #tpu.memory_space<vmem>> -> memref<128xi32, #tpu.memory_space<vmem>>
    %dma_start3A_134 = arith.constant 0 : i32
    %dma_start3A_135 = arith.constant 0 : i32
    %dma_start3A_136 = tpu.memref_slice %arg2[%dma_start3A_134, %dma_start3A_135] : memref<10000x128xf32, #tpu.memory_space<hbm>> -> memref<10000x128xf32, #tpu.memory_space<hbm>>
    tpu.enqueue_indirect_dma source(%dma_start3A_136 : memref<10000x128xf32, #tpu.memory_space<hbm>>) target(%arg7 : memref<128x128xf32, #tpu.memory_space<vmem>>) offsets(%dma_start3A_133 : memref<128xi32, #tpu.memory_space<vmem>>) semaphore(%arg10 : memref<!tpu.dma_semaphore, #tpu.memory_space<semaphore_mem>>)
    %scan3A_137 = arith.constant 0 : i32
    %scan3A_138 = arith.constant 20 : i32
    %scan3A_139 = arith.addi %scan3A_137, %scan3A_138 : i32
    %scan3A_140 = arith.constant 1 : i32
    scf.for %scan3A_147 = %scan3A_137 to %scan3A_139 step %scan3A_140  : i32 {
      %mul3A_148 = arith.constant 2 : i32
      %mul3A_149 = arith.muli %scan3A_147, %mul3A_148 : i32
      %add3A_150 = arith.constant 0 : i32
      %add3A_151 = arith.addi %add3A_150, %mul3A_149 : i32
      %dma_wait3A_152 = arith.constant 0 : i32
      %dma_wait3A_153 = arith.constant 0 : i32
      %dma_wait3A_154 = tpu.memref_slice %arg5[%dma_wait3A_152, %dma_wait3A_153] : memref<40x128xi32, #tpu.memory_space<vmem>> -> memref<1x128xi32, #tpu.memory_space<vmem>>
      %dma_wait3A_155 = tpu.memref_squeeze %dma_wait3A_154 : memref<1x128xi32, #tpu.memory_space<vmem>> -> memref<128xi32, #tpu.memory_space<vmem>>
      %dma_wait3A_156 = arith.constant 0 : i32
      %dma_wait3A_157 = arith.constant 0 : i32
      %dma_wait3A_158 = tpu.memref_slice %arg2[%dma_wait3A_156, %dma_wait3A_157] : memref<10000x128xf32, #tpu.memory_space<hbm>> -> memref<10000x128xf32, #tpu.memory_space<hbm>>
      tpu.wait_indirect_dma semaphore(%arg10 : memref<!tpu.dma_semaphore, #tpu.memory_space<semaphore_mem>>) src(%dma_wait3A_158 : memref<10000x128xf32, #tpu.memory_space<hbm>>) dst(%arg7 : memref<128x128xf32, #tpu.memory_space<vmem>>)
      %add3A_159 = arith.constant 1 : i32
      %add3A_160 = arith.addi %add3A_151, %add3A_159 : i32
      %dma_start3A_161 = arith.constant 0 : i32
      %dma_start3A_162 = tpu.memref_slice %arg5[%add3A_160, %dma_start3A_161] : memref<40x128xi32, #tpu.memory_space<vmem>> -> memref<1x128xi32, #tpu.memory_space<vmem>>
      %dma_start3A_163 = tpu.memref_squeeze %dma_start3A_162 : memref<1x128xi32, #tpu.memory_space<vmem>> -> memref<128xi32, #tpu.memory_space<vmem>>
      %dma_start3A_164 = arith.constant 0 : i32
      %dma_start3A_165 = arith.constant 0 : i32
      %dma_start3A_166 = tpu.memref_slice %arg2[%dma_start3A_164, %dma_start3A_165] : memref<10000x128xf32, #tpu.memory_space<hbm>> -> memref<10000x128xf32, #tpu.memory_space<hbm>>
      tpu.enqueue_indirect_dma source(%dma_start3A_166 : memref<10000x128xf32, #tpu.memory_space<hbm>>) target(%arg8 : memref<128x128xf32, #tpu.memory_space<vmem>>) offsets(%dma_start3A_163 : memref<128xi32, #tpu.memory_space<vmem>>) semaphore(%arg11 : memref<!tpu.dma_semaphore, #tpu.memory_space<semaphore_mem>>)
      "tpu.region"() ({
        %run_scoped3A_180 = tpu.sem_alloc : memref<!tpu.dma_semaphore, #tpu.memory_space<semaphore_mem>>
        %dma_start3A_181 = arith.constant 0 : i32
        %dma_start3A_182 = tpu.memref_slice %arg6[%add3A_151, %dma_start3A_181] : memref<40x128xi32, #tpu.memory_space<vmem>> -> memref<1x128xi32, #tpu.memory_space<vmem>>
        %dma_start3A_183 = tpu.memref_squeeze %dma_start3A_182 : memref<1x128xi32, #tpu.memory_space<vmem>> -> memref<128xi32, #tpu.memory_space<vmem>>
        %dma_start3A_184 = arith.constant 0 : i32
        %dma_start3A_185 = arith.constant 0 : i32
        %dma_start3A_186 = tpu.memref_slice %arg9[%dma_start3A_184, %dma_start3A_185] : memref<10240x128xf32, #tpu.memory_space<vmem_shared>> -> memref<10240x128xf32, #tpu.memory_space<vmem_shared>>
        tpu.enqueue_indirect_dma source(%arg7 : memref<128x128xf32, #tpu.memory_space<vmem>>) target(%dma_start3A_186 : memref<10240x128xf32, #tpu.memory_space<vmem_shared>>) offsets(%dma_start3A_183 : memref<128xi32, #tpu.memory_space<vmem>>) semaphore(%run_scoped3A_180 : memref<!tpu.dma_semaphore, #tpu.memory_space<semaphore_mem>>) {add = true}
        %dma_wait3A_187 = arith.constant 0 : i32
        %dma_wait3A_188 = tpu.memref_slice %arg6[%add3A_151, %dma_wait3A_187] : memref<40x128xi32, #tpu.memory_space<vmem>> -> memref<1x128xi32, #tpu.memory_space<vmem>>
        %dma_wait3A_189 = tpu.memref_squeeze %dma_wait3A_188 : memref<1x128xi32, #tpu.memory_space<vmem>> -> memref<128xi32, #tpu.memory_space<vmem>>
        %dma_wait3A_190 = arith.constant 0 : i32
        %dma_wait3A_191 = arith.constant 0 : i32
        %dma_wait3A_192 = tpu.memref_slice %arg9[%dma_wait3A_190, %dma_wait3A_191] : memref<10240x128xf32, #tpu.memory_space<vmem_shared>> -> memref<10240x128xf32, #tpu.memory_space<vmem_shared>>
        tpu.wait_indirect_dma semaphore(%run_scoped3A_180 : memref<!tpu.dma_semaphore, #tpu.memory_space<semaphore_mem>>) src(%arg7 : memref<128x128xf32, #tpu.memory_space<vmem>>) dst(%dma_wait3A_192 : memref<10240x128xf32, #tpu.memory_space<vmem_shared>>)
        tpu.yield
      }) : () -> ()
      %add3A_167 = arith.constant 2 : i32
      %add3A_168 = arith.addi %add3A_151, %add3A_167 : i32
      %lt3A = arith.constant 40 : i32
      %lt3A_169 = arith.cmpi slt, %add3A_168, %lt3A : i32
      %convert_element_type3A = arith.extui %lt3A_169 : i1 to i32
      %cond3A = arith.constant 0 : i32
      %cond3A_170 = arith.cmpi ne, %convert_element_type3A, %cond3A : i32
      scf.if %cond3A_170 {
        %add3A_180 = arith.constant 2 : i32
        %add3A_181 = arith.addi %add3A_151, %add3A_180 : i32
        %dma_start3A_182 = arith.constant 0 : i32
        %dma_start3A_183 = tpu.memref_slice %arg5[%add3A_181, %dma_start3A_182] : memref<40x128xi32, #tpu.memory_space<vmem>> -> memref<1x128xi32, #tpu.memory_space<vmem>>
        %dma_start3A_184 = tpu.memref_squeeze %dma_start3A_183 : memref<1x128xi32, #tpu.memory_space<vmem>> -> memref<128xi32, #tpu.memory_space<vmem>>
        %dma_start3A_185 = arith.constant 0 : i32
        %dma_start3A_186 = arith.constant 0 : i32
        %dma_start3A_187 = tpu.memref_slice %arg2[%dma_start3A_185, %dma_start3A_186] : memref<10000x128xf32, #tpu.memory_space<hbm>> -> memref<10000x128xf32, #tpu.memory_space<hbm>>
        tpu.enqueue_indirect_dma source(%dma_start3A_187 : memref<10000x128xf32, #tpu.memory_space<hbm>>) target(%arg7 : memref<128x128xf32, #tpu.memory_space<vmem>>) offsets(%dma_start3A_184 : memref<128xi32, #tpu.memory_space<vmem>>) semaphore(%arg10 : memref<!tpu.dma_semaphore, #tpu.memory_space<semaphore_mem>>)
      } else {
      }
      %dma_wait3A_171 = arith.constant 0 : i32
      %dma_wait3A_172 = arith.constant 0 : i32
      %dma_wait3A_173 = tpu.memref_slice %arg5[%dma_wait3A_171, %dma_wait3A_172] : memref<40x128xi32, #tpu.memory_space<vmem>> -> memref<1x128xi32, #tpu.memory_space<vmem>>
      %dma_wait3A_174 = tpu.memref_squeeze %dma_wait3A_173 : memref<1x128xi32, #tpu.memory_space<vmem>> -> memref<128xi32, #tpu.memory_space<vmem>>
      %dma_wait3A_175 = arith.constant 0 : i32
      %dma_wait3A_176 = arith.constant 0 : i32
      %dma_wait3A_177 = tpu.memref_slice %arg2[%dma_wait3A_175, %dma_wait3A_176] : memref<10000x128xf32, #tpu.memory_space<hbm>> -> memref<10000x128xf32, #tpu.memory_space<hbm>>
      tpu.wait_indirect_dma semaphore(%arg11 : memref<!tpu.dma_semaphore, #tpu.memory_space<semaphore_mem>>) src(%dma_wait3A_177 : memref<10000x128xf32, #tpu.memory_space<hbm>>) dst(%arg8 : memref<128x128xf32, #tpu.memory_space<vmem>>)
      %add3A_178 = arith.constant 1 : i32
      %add3A_179 = arith.addi %add3A_151, %add3A_178 : i32
      "tpu.region"() ({
        %run_scoped3A_180 = tpu.sem_alloc : memref<!tpu.dma_semaphore, #tpu.memory_space<semaphore_mem>>
        %dma_start3A_181 = arith.constant 0 : i32
        %dma_start3A_182 = tpu.memref_slice %arg6[%add3A_179, %dma_start3A_181] : memref<40x128xi32, #tpu.memory_space<vmem>> -> memref<1x128xi32, #tpu.memory_space<vmem>>
        %dma_start3A_183 = tpu.memref_squeeze %dma_start3A_182 : memref<1x128xi32, #tpu.memory_space<vmem>> -> memref<128xi32, #tpu.memory_space<vmem>>
        %dma_start3A_184 = arith.constant 0 : i32
        %dma_start3A_185 = arith.constant 0 : i32
        %dma_start3A_186 = tpu.memref_slice %arg9[%dma_start3A_184, %dma_start3A_185] : memref<10240x128xf32, #tpu.memory_space<vmem_shared>> -> memref<10240x128xf32, #tpu.memory_space<vmem_shared>>
        tpu.enqueue_indirect_dma source(%arg8 : memref<128x128xf32, #tpu.memory_space<vmem>>) target(%dma_start3A_186 : memref<10240x128xf32, #tpu.memory_space<vmem_shared>>) offsets(%dma_start3A_183 : memref<128xi32, #tpu.memory_space<vmem>>) semaphore(%run_scoped3A_180 : memref<!tpu.dma_semaphore, #tpu.memory_space<semaphore_mem>>) {add = true}
        %dma_wait3A_187 = arith.constant 0 : i32
        %dma_wait3A_188 = tpu.memref_slice %arg6[%add3A_179, %dma_wait3A_187] : memref<40x128xi32, #tpu.memory_space<vmem>> -> memref<1x128xi32, #tpu.memory_space<vmem>>
        %dma_wait3A_189 = tpu.memref_squeeze %dma_wait3A_188 : memref<1x128xi32, #tpu.memory_space<vmem>> -> memref<128xi32, #tpu.memory_space<vmem>>
        %dma_wait3A_190 = arith.constant 0 : i32
        %dma_wait3A_191 = arith.constant 0 : i32
        %dma_wait3A_192 = tpu.memref_slice %arg9[%dma_wait3A_190, %dma_wait3A_191] : memref<10240x128xf32, #tpu.memory_space<vmem_shared>> -> memref<10240x128xf32, #tpu.memory_space<vmem_shared>>
        tpu.wait_indirect_dma semaphore(%run_scoped3A_180 : memref<!tpu.dma_semaphore, #tpu.memory_space<semaphore_mem>>) src(%arg8 : memref<128x128xf32, #tpu.memory_space<vmem>>) dst(%dma_wait3A_192 : memref<10240x128xf32, #tpu.memory_space<vmem_shared>>)
        tpu.yield
      }) : () -> ()
    }
    %scan3A_141 = arith.constant 20 : i32
    %barrier3A_142 = arith.constant 0 : index
    tpu.barrier barrier_id(%barrier3A_142)
    %mul3A_143 = arith.constant 640 : i32
    %mul3A_144 = arith.muli %arg1, %mul3A_143 : i32
    %mul3A_145 = arith.constant 640 : i32
    %mul3A_146 = arith.muli %arg1, %mul3A_145 : i32
    "tpu.region"() ({
      %run_scoped3A_147 = tpu.sem_alloc : memref<!tpu.dma_semaphore, #tpu.memory_space<semaphore_mem>>
      %dma_start3A_148 = arith.constant 0 : i32
      %dma_start3A_149 = tpu.memref_slice %arg4[%arg0, %mul3A_146, %dma_start3A_148] : memref<2x10240x128xf32, #tpu.memory_space<hbm>> -> memref<1x640x128xf32, #tpu.memory_space<hbm>>
      %dma_start3A_150 = tpu.memref_squeeze %dma_start3A_149 : memref<1x640x128xf32, #tpu.memory_space<hbm>> -> memref<640x128xf32, #tpu.memory_space<hbm>>
      %dma_start3A_151 = arith.constant 0 : i32
      %dma_start3A_152 = tpu.memref_slice %arg9[%mul3A_144, %dma_start3A_151] : memref<10240x128xf32, #tpu.memory_space<vmem_shared>> -> memref<640x128xf32, #tpu.memory_space<vmem_shared>>
      tpu.enqueue_dma source(%dma_start3A_152 : memref<640x128xf32, #tpu.memory_space<vmem_shared>>) target(%dma_start3A_150 : memref<640x128xf32, #tpu.memory_space<hbm>>) target_semaphore(%run_scoped3A_147 : memref<!tpu.dma_semaphore, #tpu.memory_space<semaphore_mem>>)
      %dma_wait3A_153 = arith.constant 0 : i32
      %dma_wait3A_154 = tpu.memref_slice %arg4[%arg0, %mul3A_146, %dma_wait3A_153] : memref<2x10240x128xf32, #tpu.memory_space<hbm>> -> memref<1x640x128xf32, #tpu.memory_space<hbm>>
      %dma_wait3A_155 = tpu.memref_squeeze %dma_wait3A_154 : memref<1x640x128xf32, #tpu.memory_space<hbm>> -> memref<640x128xf32, #tpu.memory_space<hbm>>
      %dma_wait3A_156 = arith.constant 0 : i32
      %dma_wait3A_157 = tpu.memref_slice %arg9[%mul3A_144, %dma_wait3A_156] : memref<10240x128xf32, #tpu.memory_space<vmem_shared>> -> memref<640x128xf32, #tpu.memory_space<vmem_shared>>
      tpu.wait_dma2 semaphore(%run_scoped3A_147 : memref<!tpu.dma_semaphore, #tpu.memory_space<semaphore_mem>>) src(%dma_wait3A_157 : memref<640x128xf32, #tpu.memory_space<vmem_shared>>) dst(%dma_wait3A_155 : memref<640x128xf32, #tpu.memory_space<hbm>>)
      tpu.yield
    }) : () -> ()
    return
  }
}

module attributes {stable_mosaic.version = 14 : i64} {
  func.func @_gin_mlp_body(%arg0: i32, %arg1: memref<2000x128xf32, #tpu.memory_space<vmem>>, %arg2: memref<2x2000x128xf32, #tpu.memory_space<vmem>>, %arg3: memref<128x128xf32, #tpu.memory_space<vmem>>, %arg4: memref<1x128xf32, #tpu.memory_space<vmem>>, %arg5: memref<128x128xf32, #tpu.memory_space<vmem>>, %arg6: memref<1x128xf32, #tpu.memory_space<vmem>>, %arg7: memref<2000x128xf32, #tpu.memory_space<vmem>>) attributes {dimension_semantics = [#tpu.dimension_semantics<arbitrary>], iteration_bounds = array<i64: 5>, scalar_prefetch = 0 : i64, scratch_operands = 0 : i64, tpu.core_type = #tpu.core_type<tc>, window_params = [{transform_indices = @transform_0, window_bounds = array<i64: 2000, 128>}, {transform_indices = @transform_1, window_bounds = array<i64: 2, 2000, 128>}, {pipeline_mode = #tpu.pipeline_mode<synchronous>, transform_indices = @transform_2, window_bounds = array<i64: 128, 128>}, {pipeline_mode = #tpu.pipeline_mode<synchronous>, transform_indices = @transform_3, window_bounds = array<i64: 1, 128>}, {pipeline_mode = #tpu.pipeline_mode<synchronous>, transform_indices = @transform_4, window_bounds = array<i64: 128, 128>}, {pipeline_mode = #tpu.pipeline_mode<synchronous>, transform_indices = @transform_5, window_bounds = array<i64: 1, 128>}, {transform_indices = @transform_6, window_bounds = array<i64: 2000, 128>}]} {
    %get3A = arith.constant 0 : index
    %get3A_0 = arith.constant 0 : index
    %get3A_1 = vector.load %arg1[%get3A, %get3A_0] : memref<2000x128xf32, #tpu.memory_space<vmem>>, vector<2000x128xf32>
    %get3A_2 = arith.constant 0 : index
    %get3A_3 = arith.constant 0 : index
    %get3A_4 = arith.constant 0 : index
    %get3A_5 = vector.load %arg2[%get3A_2, %get3A_3, %get3A_4] : memref<2x2000x128xf32, #tpu.memory_space<vmem>>, vector<1x2000x128xf32>
    %get3A_6 = vector.shape_cast %get3A_5 : vector<1x2000x128xf32> to vector<2000x128xf32>
    %add3A = arith.addf %get3A_1, %get3A_6 : vector<2000x128xf32>
    %get3A_7 = arith.constant 1 : index
    %get3A_8 = arith.constant 0 : index
    %get3A_9 = arith.constant 0 : index
    %get3A_10 = vector.load %arg2[%get3A_7, %get3A_8, %get3A_9] : memref<2x2000x128xf32, #tpu.memory_space<vmem>>, vector<1x2000x128xf32>
    %get3A_11 = vector.shape_cast %get3A_10 : vector<1x2000x128xf32> to vector<2000x128xf32>
    %add3A_12 = arith.addf %add3A, %get3A_11 : vector<2000x128xf32>
    %get3A_13 = arith.constant 0 : index
    %get3A_14 = arith.constant 0 : index
    %get3A_15 = vector.load %arg3[%get3A_13, %get3A_14] : memref<128x128xf32, #tpu.memory_space<vmem>>, vector<128x128xf32>
    %dot_general3A = arith.constant dense<0.000000e+00> : vector<2000x128xf32>
    %dot_general3A_16 = tpu.matmul %add3A_12, %get3A_15, %dot_general3A {dimension_numbers = #tpu.dot_dimension_numbers<[1], [0], [0], [1], [0, 0, 1, 1], [], []>, transpose_lhs_hint = false} : vector<2000x128xf32>, vector<128x128xf32>, vector<2000x128xf32> -> vector<2000x128xf32>
    %get3A_17 = arith.constant 0 : index
    %get3A_18 = arith.constant 0 : index
    %get3A_19 = vector.load %arg4[%get3A_17, %get3A_18] : memref<1x128xf32, #tpu.memory_space<vmem>>, vector<1x128xf32>
    %add3A_20 = vector.broadcast %get3A_19 : vector<1x128xf32> to vector<2000x128xf32>
    %add3A_21 = arith.addf %dot_general3A_16, %add3A_20 : vector<2000x128xf32>
    %max3A = arith.constant 0.000000e+00 : f32
    %max3A_22 = vector.broadcast %max3A : f32 to vector<2000x128xf32>
    %max3A_23 = arith.maximumf %add3A_21, %max3A_22 : vector<2000x128xf32>
    %get3A_24 = arith.constant 0 : index
    %get3A_25 = arith.constant 0 : index
    %get3A_26 = vector.load %arg5[%get3A_24, %get3A_25] : memref<128x128xf32, #tpu.memory_space<vmem>>, vector<128x128xf32>
    %dot_general3A_27 = arith.constant dense<0.000000e+00> : vector<2000x128xf32>
    %dot_general3A_28 = tpu.matmul %max3A_23, %get3A_26, %dot_general3A_27 {dimension_numbers = #tpu.dot_dimension_numbers<[1], [0], [0], [1], [0, 0, 1, 1], [], []>, transpose_lhs_hint = false} : vector<2000x128xf32>, vector<128x128xf32>, vector<2000x128xf32> -> vector<2000x128xf32>
    %get3A_29 = arith.constant 0 : index
    %get3A_30 = arith.constant 0 : index
    %get3A_31 = vector.load %arg6[%get3A_29, %get3A_30] : memref<1x128xf32, #tpu.memory_space<vmem>>, vector<1x128xf32>
    %add3A_32 = vector.broadcast %get3A_31 : vector<1x128xf32> to vector<2000x128xf32>
    %add3A_33 = arith.addf %dot_general3A_28, %add3A_32 : vector<2000x128xf32>
    %swap3A = arith.constant 0 : index
    %swap3A_34 = arith.constant 0 : index
    %swap3A_35 = vector.load %arg7[%swap3A, %swap3A_34] : memref<2000x128xf32, #tpu.memory_space<vmem>>, vector<2000x128xf32>
    tpu.vector_store %arg7[%swap3A, %swap3A_34], %add3A_33 {strides = array<i32>} : memref<2000x128xf32, #tpu.memory_space<vmem>>, vector<2000x128xf32>,
    return
  }
  func.func @transform_0(%arg0: i32) -> (i32, i32) {
    %c0_i32 = arith.constant 0 : i32
    %c0_i32_0 = arith.constant 0 : i32
    return %arg0, %c0_i32 : i32, i32
  }
  func.func @transform_1(%arg0: i32) -> (i32, i32, i32) {
    %c0_i32 = arith.constant 0 : i32
    %c0_i32_0 = arith.constant 0 : i32
    %c0_i32_1 = arith.constant 0 : i32
    return %c0_i32, %arg0, %c0_i32_0 : i32, i32, i32
  }
  func.func @transform_2(%arg0: i32) -> (i32, i32) {
    %c0_i32 = arith.constant 0 : i32
    %c0_i32_0 = arith.constant 0 : i32
    %c0_i32_1 = arith.constant 0 : i32
    return %c0_i32, %c0_i32_0 : i32, i32
  }
  func.func @transform_3(%arg0: i32) -> (i32, i32) {
    %c0_i32 = arith.constant 0 : i32
    %c0_i32_0 = arith.constant 0 : i32
    %c0_i32_1 = arith.constant 0 : i32
    return %c0_i32, %c0_i32_0 : i32, i32
  }
  func.func @transform_4(%arg0: i32) -> (i32, i32) {
    %c0_i32 = arith.constant 0 : i32
    %c0_i32_0 = arith.constant 0 : i32
    %c0_i32_1 = arith.constant 0 : i32
    return %c0_i32, %c0_i32_0 : i32, i32
  }
  func.func @transform_5(%arg0: i32) -> (i32, i32) {
    %c0_i32 = arith.constant 0 : i32
    %c0_i32_0 = arith.constant 0 : i32
    %c0_i32_1 = arith.constant 0 : i32
    return %c0_i32, %c0_i32_0 : i32, i32
  }
  func.func @transform_6(%arg0: i32) -> (i32, i32) {
    %c0_i32 = arith.constant 0 : i32
    %c0_i32_0 = arith.constant 0 : i32
    return %arg0, %c0_i32 : i32, i32
  }
}

module attributes {stable_mosaic.version = 14 : i64} {
  func.func @_final_body(%arg0: i32, %arg1: memref<2000x128xf32, #tpu.memory_space<vmem>>, %arg2: memref<2x2000x128xf32, #tpu.memory_space<vmem>>, %arg3: memref<128x128xf32, #tpu.memory_space<vmem>>, %arg4: memref<1x128xf32, #tpu.memory_space<vmem>>, %arg5: memref<128x128xf32, #tpu.memory_space<vmem>>, %arg6: memref<1x128xf32, #tpu.memory_space<vmem>>, %arg7: memref<2000x2xf32, #tpu.memory_space<vmem>>, %arg8: memref<10000x2xf32, #tpu.memory_space<vmem>>, %arg9: memref<128x128xf32, #tpu.memory_space<vmem>>, %arg10: memref<128x128xf32, #tpu.memory_space<vmem>>, %arg11: memref<1x128xf32, #tpu.memory_space<vmem>>, %arg12: memref<1x128xf32, #tpu.memory_space<vmem>>, %arg13: memref<1x1xf32, #tpu.memory_space<vmem>>, %arg14: memref<1x1xf32, #tpu.memory_space<vmem>>, %arg15: memref<2x128xf32, #tpu.memory_space<vmem>>, %arg16: memref<1x2xf32, #tpu.memory_space<vmem>>, %arg17: memref<1x2xf32, #tpu.memory_space<vmem>>) attributes {dimension_semantics = [#tpu.dimension_semantics<arbitrary>], iteration_bounds = array<i64: 5>, scalar_prefetch = 0 : i64, scratch_operands = 3 : i64, tpu.core_type = #tpu.core_type<tc>, window_params = [{transform_indices = @transform_0, window_bounds = array<i64: 2000, 128>}, {transform_indices = @transform_1, window_bounds = array<i64: 2, 2000, 128>}, {pipeline_mode = #tpu.pipeline_mode<synchronous>, transform_indices = @transform_2, window_bounds = array<i64: 128, 128>}, {pipeline_mode = #tpu.pipeline_mode<synchronous>, transform_indices = @transform_3, window_bounds = array<i64: 1, 128>}, {pipeline_mode = #tpu.pipeline_mode<synchronous>, transform_indices = @transform_4, window_bounds = array<i64: 128, 128>}, {pipeline_mode = #tpu.pipeline_mode<synchronous>, transform_indices = @transform_5, window_bounds = array<i64: 1, 128>}, {transform_indices = @transform_6, window_bounds = array<i64: 2000, 2>}, {pipeline_mode = #tpu.pipeline_mode<synchronous>, transform_indices = @transform_7, window_bounds = array<i64: 10000, 2>}, {transform_indices = @transform_8, window_bounds = array<i64: 128, 128>}, {transform_indices = @transform_9, window_bounds = array<i64: 128, 128>}, {pipeline_mode = #tpu.pipeline_mode<synchronous>, transform_indices = @transform_10, window_bounds = array<i64: 1, 128>}, {pipeline_mode = #tpu.pipeline_mode<synchronous>, transform_indices = @transform_11, window_bounds = array<i64: 1, 128>}, {pipeline_mode = #tpu.pipeline_mode<synchronous>, transform_indices = @transform_12, window_bounds = array<i64: 1, 1>}, {pipeline_mode = #tpu.pipeline_mode<synchronous>, transform_indices = @transform_13, window_bounds = array<i64: 1, 1>}]} {
    %eq3A = arith.constant 0 : i32
    %eq3A_0 = arith.cmpi eq, %arg0, %eq3A : i32
    %convert_element_type3A = arith.extui %eq3A_0 : i1 to i32
    %cond3A = arith.constant 0 : i32
    %cond3A_1 = arith.cmpi ne, %convert_element_type3A, %cond3A : i32
    scf.if %cond3A_1 {
      %broadcast_in_dim3A_77 = arith.constant 0.000000e+00 : f32
      %broadcast_in_dim3A_78 = vector.broadcast %broadcast_in_dim3A_77 : f32 to vector<2x128xf32>
      %swap3A_79 = arith.constant 0 : index
      %swap3A_80 = arith.constant 0 : index
      %swap3A_81 = vector.load %arg15[%swap3A_79, %swap3A_80] : memref<2x128xf32, #tpu.memory_space<vmem>>, vector<2x128xf32>
      tpu.vector_store %arg15[%swap3A_79, %swap3A_80], %broadcast_in_dim3A_78 {strides = array<i32>} : memref<2x128xf32, #tpu.memory_space<vmem>>, vector<2x128xf32>,
      %get3A_82 = arith.constant 0 : index
      %get3A_83 = arith.constant 0 : index
      %get3A_84 = vector.load %arg8[%get3A_82, %get3A_83] : memref<10000x2xf32, #tpu.memory_space<vmem>>, vector<10000x2xf32>
      %reduce_max3A = arith.constant dense<0xFF800000> : vector<2xf32>
      %reduce_max3A_85 = vector.multi_reduction <maximumf>, %get3A_84, %reduce_max3A [0] : vector<10000x2xf32> to vector<2xf32>
      %broadcast_in_dim3A_86 = vector.shape_cast %reduce_max3A_85 : vector<2xf32> to vector<1x2xf32>
      %swap3A_87 = arith.constant 0 : index
      %swap3A_88 = arith.constant 0 : index
      %swap3A_89 = vector.load %arg16[%swap3A_87, %swap3A_88] : memref<1x2xf32, #tpu.memory_space<vmem>>, vector<1x2xf32>
      tpu.vector_store %arg16[%swap3A_87, %swap3A_88], %broadcast_in_dim3A_86 {strides = array<i32>} : memref<1x2xf32, #tpu.memory_space<vmem>>, vector<1x2xf32>,
      %sub3A_90 = vector.broadcast %broadcast_in_dim3A_86 : vector<1x2xf32> to vector<10000x2xf32>
      %sub3A_91 = arith.subf %get3A_84, %sub3A_90 : vector<10000x2xf32>
      %exp3A_92 = math.exp %sub3A_91 : vector<10000x2xf32>
      %reduce_sum3A_93 = arith.constant dense<0.000000e+00> : vector<2xf32>
      %reduce_sum3A_94 = vector.multi_reduction <add>, %exp3A_92, %reduce_sum3A_93 [0] : vector<10000x2xf32> to vector<2xf32>
      %broadcast_in_dim3A_95 = vector.shape_cast %reduce_sum3A_94 : vector<2xf32> to vector<1x2xf32>
      %swap3A_96 = arith.constant 0 : index
      %swap3A_97 = arith.constant 0 : index
      %swap3A_98 = vector.load %arg17[%swap3A_96, %swap3A_97] : memref<1x2xf32, #tpu.memory_space<vmem>>, vector<1x2xf32>
      tpu.vector_store %arg17[%swap3A_96, %swap3A_97], %broadcast_in_dim3A_95 {strides = array<i32>} : memref<1x2xf32, #tpu.memory_space<vmem>>, vector<1x2xf32>,
    } else {
    }
    %get3A = arith.constant 0 : index
    %get3A_2 = arith.constant 0 : index
    %get3A_3 = vector.load %arg1[%get3A, %get3A_2] : memref<2000x128xf32, #tpu.memory_space<vmem>>, vector<2000x128xf32>
    %get3A_4 = arith.constant 0 : index
    %get3A_5 = arith.constant 0 : index
    %get3A_6 = arith.constant 0 : index
    %get3A_7 = vector.load %arg2[%get3A_4, %get3A_5, %get3A_6] : memref<2x2000x128xf32, #tpu.memory_space<vmem>>, vector<1x2000x128xf32>
    %get3A_8 = vector.shape_cast %get3A_7 : vector<1x2000x128xf32> to vector<2000x128xf32>
    %add3A = arith.addf %get3A_3, %get3A_8 : vector<2000x128xf32>
    %get3A_9 = arith.constant 1 : index
    %get3A_10 = arith.constant 0 : index
    %get3A_11 = arith.constant 0 : index
    %get3A_12 = vector.load %arg2[%get3A_9, %get3A_10, %get3A_11] : memref<2x2000x128xf32, #tpu.memory_space<vmem>>, vector<1x2000x128xf32>
    %get3A_13 = vector.shape_cast %get3A_12 : vector<1x2000x128xf32> to vector<2000x128xf32>
    %add3A_14 = arith.addf %add3A, %get3A_13 : vector<2000x128xf32>
    %get3A_15 = arith.constant 0 : index
    %get3A_16 = arith.constant 0 : index
    %get3A_17 = vector.load %arg3[%get3A_15, %get3A_16] : memref<128x128xf32, #tpu.memory_space<vmem>>, vector<128x128xf32>
    %dot_general3A = arith.constant dense<0.000000e+00> : vector<2000x128xf32>
    %dot_general3A_18 = tpu.matmul %add3A_14, %get3A_17, %dot_general3A {dimension_numbers = #tpu.dot_dimension_numbers<[1], [0], [0], [1], [0, 0, 1, 1], [], []>, transpose_lhs_hint = false} : vector<2000x128xf32>, vector<128x128xf32>, vector<2000x128xf32> -> vector<2000x128xf32>
    %get3A_19 = arith.constant 0 : index
    %get3A_20 = arith.constant 0 : index
    %get3A_21 = vector.load %arg4[%get3A_19, %get3A_20] : memref<1x128xf32, #tpu.memory_space<vmem>>, vector<1x128xf32>
    %add3A_22 = vector.broadcast %get3A_21 : vector<1x128xf32> to vector<2000x128xf32>
    %add3A_23 = arith.addf %dot_general3A_18, %add3A_22 : vector<2000x128xf32>
    %max3A = arith.constant 0.000000e+00 : f32
    %max3A_24 = vector.broadcast %max3A : f32 to vector<2000x128xf32>
    %max3A_25 = arith.maximumf %add3A_23, %max3A_24 : vector<2000x128xf32>
    %get3A_26 = arith.constant 0 : index
    %get3A_27 = arith.constant 0 : index
    %get3A_28 = vector.load %arg5[%get3A_26, %get3A_27] : memref<128x128xf32, #tpu.memory_space<vmem>>, vector<128x128xf32>
    %dot_general3A_29 = arith.constant dense<0.000000e+00> : vector<2000x128xf32>
    %dot_general3A_30 = tpu.matmul %max3A_25, %get3A_28, %dot_general3A_29 {dimension_numbers = #tpu.dot_dimension_numbers<[1], [0], [0], [1], [0, 0, 1, 1], [], []>, transpose_lhs_hint = false} : vector<2000x128xf32>, vector<128x128xf32>, vector<2000x128xf32> -> vector<2000x128xf32>
    %get3A_31 = arith.constant 0 : index
    %get3A_32 = arith.constant 0 : index
    %get3A_33 = vector.load %arg6[%get3A_31, %get3A_32] : memref<1x128xf32, #tpu.memory_space<vmem>>, vector<1x128xf32>
    %add3A_34 = vector.broadcast %get3A_33 : vector<1x128xf32> to vector<2000x128xf32>
    %add3A_35 = arith.addf %dot_general3A_30, %add3A_34 : vector<2000x128xf32>
    %get3A_36 = arith.constant 0 : index
    %get3A_37 = arith.constant 0 : index
    %get3A_38 = vector.load %arg7[%get3A_36, %get3A_37] : memref<2000x2xf32, #tpu.memory_space<vmem>>, vector<2000x2xf32>
    %get3A_39 = arith.constant 0 : index
    %get3A_40 = arith.constant 0 : index
    %get3A_41 = vector.load %arg16[%get3A_39, %get3A_40] : memref<1x2xf32, #tpu.memory_space<vmem>>, vector<1x2xf32>
    %sub3A = vector.broadcast %get3A_41 : vector<1x2xf32> to vector<2000x2xf32>
    %sub3A_42 = arith.subf %get3A_38, %sub3A : vector<2000x2xf32>
    %exp3A = math.exp %sub3A_42 : vector<2000x2xf32>
    %get3A_43 = arith.constant 0 : index
    %get3A_44 = arith.constant 0 : index
    %get3A_45 = vector.load %arg17[%get3A_43, %get3A_44] : memref<1x2xf32, #tpu.memory_space<vmem>>, vector<1x2xf32>
    %div3A = vector.broadcast %get3A_45 : vector<1x2xf32> to vector<2000x2xf32>
    %div3A_46 = arith.divf %exp3A, %div3A : vector<2000x2xf32>
    %convert_element_type3A_47 = arith.truncf %div3A_46 : vector<2000x2xf32> to vector<2000x2xbf16>
    %convert_element_type3A_48 = arith.extf %convert_element_type3A_47 : vector<2000x2xbf16> to vector<2000x2xf32>
    %convert_element_type3A_49 = arith.truncf %add3A_35 : vector<2000x128xf32> to vector<2000x128xbf16>
    %convert_element_type3A_50 = arith.extf %convert_element_type3A_49 : vector<2000x128xbf16> to vector<2000x128xf32>
    %get3A_51 = arith.constant 0 : index
    %get3A_52 = arith.constant 0 : index
    %get3A_53 = vector.load %arg15[%get3A_51, %get3A_52] : memref<2x128xf32, #tpu.memory_space<vmem>>, vector<1x128xf32>
    %slice3A = vector.extract_strided_slice %convert_element_type3A_48 {offsets = [0, 0], sizes = [2000, 1], strides = [1, 1]} : vector<2000x2xf32> to vector<2000x1xf32>
    %mul3A = vector.broadcast %slice3A : vector<2000x1xf32> to vector<2000x128xf32>
    %mul3A_54 = arith.mulf %convert_element_type3A_50, %mul3A : vector<2000x128xf32>
    %reduce_sum3A = arith.constant dense<0.000000e+00> : vector<128xf32>
    %reduce_sum3A_55 = vector.multi_reduction <add>, %mul3A_54, %reduce_sum3A [0] : vector<2000x128xf32> to vector<128xf32>
    %broadcast_in_dim3A = vector.shape_cast %reduce_sum3A_55 : vector<128xf32> to vector<1x128xf32>
    %add3A_56 = arith.addf %get3A_53, %broadcast_in_dim3A : vector<1x128xf32>
    %swap3A = arith.constant 0 : index
    %swap3A_57 = arith.constant 0 : index
    %swap3A_58 = vector.load %arg15[%swap3A, %swap3A_57] : memref<2x128xf32, #tpu.memory_space<vmem>>, vector<1x128xf32>
    tpu.vector_store %arg15[%swap3A, %swap3A_57], %add3A_56 {strides = array<i32>} : memref<2x128xf32, #tpu.memory_space<vmem>>, vector<1x128xf32>,
    %get3A_59 = arith.constant 1 : index
    %get3A_60 = arith.constant 0 : index
    %get3A_61 = vector.load %arg15[%get3A_59, %get3A_60] : memref<2x128xf32, #tpu.memory_space<vmem>>, vector<1x128xf32>
    %slice3A_62 = vector.extract_strided_slice %convert_element_type3A_48 {offsets = [0, 1], sizes = [2000, 1], strides = [1, 1]} : vector<2000x2xf32> to vector<2000x1xf32>
    %mul3A_63 = vector.broadcast %slice3A_62 : vector<2000x1xf32> to vector<2000x128xf32>
    %mul3A_64 = arith.mulf %convert_element_type3A_50, %mul3A_63 : vector<2000x128xf32>
    %reduce_sum3A_65 = arith.constant dense<0.000000e+00> : vector<128xf32>
    %reduce_sum3A_66 = vector.multi_reduction <add>, %mul3A_64, %reduce_sum3A_65 [0] : vector<2000x128xf32> to vector<128xf32>
    %broadcast_in_dim3A_67 = vector.shape_cast %reduce_sum3A_66 : vector<128xf32> to vector<1x128xf32>
    %add3A_68 = arith.addf %get3A_61, %broadcast_in_dim3A_67 : vector<1x128xf32>
    %swap3A_69 = arith.constant 1 : index
    %swap3A_70 = arith.constant 0 : index
    %swap3A_71 = vector.load %arg15[%swap3A_69, %swap3A_70] : memref<2x128xf32, #tpu.memory_space<vmem>>, vector<1x128xf32>
    tpu.vector_store %arg15[%swap3A_69, %swap3A_70], %add3A_68 {strides = array<i32>} : memref<2x128xf32, #tpu.memory_space<vmem>>, vector<1x128xf32>,
    %eq3A_72 = arith.constant 4 : i32
    %eq3A_73 = arith.cmpi eq, %arg0, %eq3A_72 : i32
    %convert_element_type3A_74 = arith.extui %eq3A_73 : i1 to i32
    %cond3A_75 = arith.constant 0 : i32
    %cond3A_76 = arith.cmpi ne, %convert_element_type3A_74, %cond3A_75 : i32
    scf.if %cond3A_76 {
      %get3A_77 = arith.constant 0 : index
      %get3A_78 = arith.constant 0 : index
      %get3A_79 = vector.load %arg15[%get3A_77, %get3A_78] : memref<2x128xf32, #tpu.memory_space<vmem>>, vector<1x128xf32>
      %get3A_80 = arith.constant 1 : index
      %get3A_81 = arith.constant 0 : index
      %get3A_82 = vector.load %arg15[%get3A_80, %get3A_81] : memref<2x128xf32, #tpu.memory_space<vmem>>, vector<1x128xf32>
      %get3A_83 = arith.constant 0 : index
      %get3A_84 = arith.constant 0 : index
      %get3A_85 = vector.load %arg9[%get3A_83, %get3A_84] : memref<128x128xf32, #tpu.memory_space<vmem>>, vector<128x128xf32>
      %dot_general3A_86 = arith.constant dense<0.000000e+00> : vector<1x128xf32>
      %dot_general3A_87 = tpu.matmul %get3A_79, %get3A_85, %dot_general3A_86 {dimension_numbers = #tpu.dot_dimension_numbers<[1], [0], [0], [1], [0, 0, 1, 1], [], []>, transpose_lhs_hint = false} : vector<1x128xf32>, vector<128x128xf32>, vector<1x128xf32> -> vector<1x128xf32>
      %get3A_88 = arith.constant 0 : index
      %get3A_89 = arith.constant 0 : index
      %get3A_90 = vector.load %arg10[%get3A_88, %get3A_89] : memref<128x128xf32, #tpu.memory_space<vmem>>, vector<128x128xf32>
      %dot_general3A_91 = arith.constant dense<0.000000e+00> : vector<1x128xf32>
      %dot_general3A_92 = tpu.matmul %get3A_82, %get3A_90, %dot_general3A_91 {dimension_numbers = #tpu.dot_dimension_numbers<[1], [0], [0], [1], [0, 0, 1, 1], [], []>, transpose_lhs_hint = false} : vector<1x128xf32>, vector<128x128xf32>, vector<1x128xf32> -> vector<1x128xf32>
      %add3A_93 = arith.addf %dot_general3A_87, %dot_general3A_92 : vector<1x128xf32>
      %get3A_94 = arith.constant 0 : index
      %get3A_95 = arith.constant 0 : index
      %get3A_96 = vector.load %arg11[%get3A_94, %get3A_95] : memref<1x128xf32, #tpu.memory_space<vmem>>, vector<1x128xf32>
      %add3A_97 = arith.addf %add3A_93, %get3A_96 : vector<1x128xf32>
      %max3A_98 = arith.constant 0.000000e+00 : f32
      %max3A_99 = vector.broadcast %max3A_98 : f32 to vector<1x128xf32>
      %max3A_100 = arith.maximumf %add3A_97, %max3A_99 : vector<1x128xf32>
      %get3A_101 = arith.constant 0 : index
      %get3A_102 = arith.constant 0 : index
      %get3A_103 = vector.load %arg12[%get3A_101, %get3A_102] : memref<1x128xf32, #tpu.memory_space<vmem>>, vector<1x128xf32>
      %mul3A_104 = arith.mulf %max3A_100, %get3A_103 : vector<1x128xf32>
      %reduce_sum3A_105 = arith.constant dense<0.000000e+00> : vector<1xf32>
      %reduce_sum3A_106 = vector.multi_reduction <add>, %mul3A_104, %reduce_sum3A_105 [1] : vector<1x128xf32> to vector<1xf32>
      %broadcast_in_dim3A_107 = vector.shape_cast %reduce_sum3A_106 : vector<1xf32> to vector<1x1xf32>
      %get3A_108 = arith.constant 0 : index
      %get3A_109 = arith.constant 0 : index
      %get3A_110 = vector.load %arg13[%get3A_108, %get3A_109] : memref<1x1xf32, #tpu.memory_space<vmem>>, vector<1x1xf32>
      %add3A_111 = arith.addf %broadcast_in_dim3A_107, %get3A_110 : vector<1x1xf32>
      %swap3A_112 = arith.constant 0 : index
      %swap3A_113 = arith.constant 0 : index
      %swap3A_114 = vector.load %arg14[%swap3A_112, %swap3A_113] : memref<1x1xf32, #tpu.memory_space<vmem>>, vector<1x1xf32>
      tpu.vector_store %arg14[%swap3A_112, %swap3A_113], %add3A_111 {strides = array<i32>} : memref<1x1xf32, #tpu.memory_space<vmem>>, vector<1x1xf32>,
    } else {
    }
    return
  }
  func.func @transform_0(%arg0: i32) -> (i32, i32) {
    %c0_i32 = arith.constant 0 : i32
    %c0_i32_0 = arith.constant 0 : i32
    return %arg0, %c0_i32 : i32, i32
  }
  func.func @transform_1(%arg0: i32) -> (i32, i32, i32) {
    %c0_i32 = arith.constant 0 : i32
    %c0_i32_0 = arith.constant 0 : i32
    %c0_i32_1 = arith.constant 0 : i32
    return %c0_i32, %arg0, %c0_i32_0 : i32, i32, i32
  }
  func.func @transform_2(%arg0: i32) -> (i32, i32) {
    %c0_i32 = arith.constant 0 : i32
    %c0_i32_0 = arith.constant 0 : i32
    %c0_i32_1 = arith.constant 0 : i32
    return %c0_i32, %c0_i32_0 : i32, i32
  }
  func.func @transform_3(%arg0: i32) -> (i32, i32) {
    %c0_i32 = arith.constant 0 : i32
    %c0_i32_0 = arith.constant 0 : i32
    %c0_i32_1 = arith.constant 0 : i32
    return %c0_i32, %c0_i32_0 : i32, i32
  }
  func.func @transform_4(%arg0: i32) -> (i32, i32) {
    %c0_i32 = arith.constant 0 : i32
    %c0_i32_0 = arith.constant 0 : i32
    %c0_i32_1 = arith.constant 0 : i32
    return %c0_i32, %c0_i32_0 : i32, i32
  }
  func.func @transform_5(%arg0: i32) -> (i32, i32) {
    %c0_i32 = arith.constant 0 : i32
    %c0_i32_0 = arith.constant 0 : i32
    %c0_i32_1 = arith.constant 0 : i32
    return %c0_i32, %c0_i32_0 : i32, i32
  }
  func.func @transform_6(%arg0: i32) -> (i32, i32) {
    %c0_i32 = arith.constant 0 : i32
    %c0_i32_0 = arith.constant 0 : i32
    return %arg0, %c0_i32 : i32, i32
  }
  func.func @transform_7(%arg0: i32) -> (i32, i32) {
    %c0_i32 = arith.constant 0 : i32
    %c0_i32_0 = arith.constant 0 : i32
    %c0_i32_1 = arith.constant 0 : i32
    return %c0_i32, %c0_i32_0 : i32, i32
  }
  func.func @transform_8(%arg0: i32) -> (i32, i32) {
    %c0_i32 = arith.constant 0 : i32
    %c0_i32_0 = arith.constant 0 : i32
    %c0_i32_1 = arith.constant 0 : i32
    return %c0_i32, %c0_i32_0 : i32, i32
  }
  func.func @transform_9(%arg0: i32) -> (i32, i32) {
    %c1_i32 = arith.constant 1 : i32
    %c0_i32 = arith.constant 0 : i32
    %c0_i32_0 = arith.constant 0 : i32
    return %c1_i32, %c0_i32 : i32, i32
  }
  func.func @transform_10(%arg0: i32) -> (i32, i32) {
    %c0_i32 = arith.constant 0 : i32
    %c0_i32_0 = arith.constant 0 : i32
    %c0_i32_1 = arith.constant 0 : i32
    return %c0_i32, %c0_i32_0 : i32, i32
  }
  func.func @transform_11(%arg0: i32) -> (i32, i32) {
    %c0_i32 = arith.constant 0 : i32
    %c0_i32_0 = arith.constant 0 : i32
    %c0_i32_1 = arith.constant 0 : i32
    return %c0_i32, %c0_i32_0 : i32, i32
  }
  func.func @transform_12(%arg0: i32) -> (i32, i32) {
    %c0_i32 = arith.constant 0 : i32
    %c0_i32_0 = arith.constant 0 : i32
    %c0_i32_1 = arith.constant 0 : i32
    return %c0_i32, %c0_i32_0 : i32, i32
  }
  func.func @transform_13(%arg0: i32) -> (i32, i32) {
    %c0_i32 = arith.constant 0 : i32
    %c0_i32_0 = arith.constant 0 : i32
    %c0_i32_1 = arith.constant 0 : i32
    return %c0_i32, %c0_i32_0 : i32, i32
  }
}

</mosaic_0001>

<sc_bundles>
// kernel: kernel.6.cloned.1.call-start
scs
__scs_entry_jumppad:
0x0: {  	(pc) =	sbr.rel $0x88, $3  }
0x1: {  	(tag) =	ssettag $0x0;
	lr =	simm.s32 $0x1  }
0x2: {  	[smem:$0x3F92] =	sst lr;
	_ =	strace $0xD0000000  }
0x3: {  	_ = 	snop  }
0x4: {  	_ = 	snop  }
0x5: {  	_ = 	snop  }
0x6: {  	_ = 	snop  }
0x7: {  	_ = 	snop  }
__scs_overlays_trampoline_lowered:
0x8: {  	[smem:$0x3FA1] =	sst s0  }
0x9: {  	[smem:$0x3FA2] =	sst s1  }
0xa: {  	[smem:$0x3FA3] =	sst s2  }
0xb: {  	[smem:$0x3FA4] =	sst s3  }
0xc: {  	[smem:$0x3FA5] =	sst s4  }
0xd: {  	[smem:$0x3FA6] =	sst s5  }
0xe: {  	[smem:$0x3FA7] =	sst s6  }
0xf: {  	[smem:$0x3FA8] =	sst s7  }
0x10: {  	[smem:$0x3FA9] =	sst s8  }
0x11: {  	[smem:$0x3FAA] =	sst s9;
	s0 =	simm.s32 @!p0 $0x0  }
0x12: {  	s1 =	sld [smem:$0x3F90];
	s0 =	simm.s32 @p0 $0x1  }
0x13: {  	[smem:$0x3FAB] =	sst s0;
	s0 =	simm.s32 @!p1 $0x0  }
0x14: {  	s2 =	sld [smem:$0x3F8F];
	s0 =	simm.s32 @p1 $0x1  }
0x15: {  	[smem:$0x3FAC] =	sst s0;
	s0 =	simm.s32 @!p2 $0x0  }
0x16: {  	s3 =	sld [smem:$0x3FDB];
	s0 =	simm.s32 @p2 $0x1  }
0x17: {  	s4 =	simm.s32 $0x1BF5;
	[smem:$0x3FAE] =	sst s0  }
0x18: {  	s0 =	sld [smem:$0x3F91];
	_ =	swait.ge [sflag:s4], $0x0  }
0x19: {  	s7 =	sld [smem:$0x3F92]  }
0x1a: {  	s8 =	sadd.s32 $0xFFFFE003, lr  }
0x1b: {  	s9 =	sadd.s32 $0xFFFFFEF7, lr;
	s5 =	simm.s32 $0xFFFFFFFF;
	p2 =	slt.u32 s8, $0xFFFFF086  }
0x1c: {  	p1 =	slt.u32 s9, $0xF7A;
	s5 =	simm.s32 @!p2 $0x0  }
0x1d: {  	s5 =	simm.s32 @p1 $0x1;
	p0 =	seq.s32 s7, s2  }
0x1e: {  	s7 =	smul.u32 @!p0 $0xF7A, s2;
	p2 =	seq.s32 @!p0 s5, $0x0  }
0x1f: {  	s9 =	smul.u32 $0xF7A, s1;
	s8 =	simm.s32 @!p0 $0x1BF5;
	p2 =	por !p2, p0  }
0x20: {  	[sflag:s8] =	ssyncset.s32 @!p0 $0xFFFFF086;
	s6 =	sadd.s32 @!p0 s3, s7;
	s7 =	simm.s32 @!p0 $0x108  }
0x21: {  	s3 =	sadd.s32 s3, s9;
	s6 =	sadd.s32 @!p0 $0x88, s6;
	s7 =	simm.s32 @p2 $0x1082  }
0x22: {  	[simem:s7], [sflag:s8] =	dma.local @!p0 [hbm:s6], $0xF7A  }
0x23: {  	s9 =	sor.u32 $0xD0000000, s2;
	s6 =	simm.s32 $0x108;
	_ =	swait.ge @!p0 [sflag:s8], $0x0  }
0x24: {  	s3 =	sadd.s32 $0x88, s3;
	s6 =	simm.s32 @!p1 $0x1082;
	[sflag:s4] =	ssyncset.s32 $0xFFFFF086  }
0x25: {  	[simem:s6], [sflag:s4] =	dma.local [hbm:s3], $0xF7A  }
0x26: {  	[smem:$0x3F92] =	sst s1;
	(tag) =	ssettag s2;
	_ =	strace s9  }
0x27: {  	s1 =	sld [smem:$0x3FA2]  }
0x28: {  	s2 =	sld [smem:$0x3FA3]  }
0x29: {  	s4 =	sld [smem:$0x3FA5]  }
0x2a: {  	p0 =	seq.s32 s5, $0x0;
	s5 =	sld [smem:$0x3FA6]  }
0x2b: {  	s6 =	sld [smem:$0x3FA7]  }
0x2c: {  	s7 =	sld [smem:$0x3FA8]  }
0x2d: {  	s3 =	simm.s32 $0x108;
	s8 =	sld [smem:$0x3FA9]  }
0x2e: {  	s3 =	simm.s32 @!p0 $0x1082;
	s9 =	sld [smem:$0x3FAA]  }
0x2f: {  	lr =	sadd.s32 s0, s3;
	s0 =	sld [smem:$0x3FA1]  }
0x30: {  	s3 =	sld [smem:$0x3FA4]  }
0x31: {  	[smem:$0x3FAD] =	sst s10  }
0x32: {  	s10 =	sld [smem:$0x3FAB];
	_ =	sdelay $0x3  }
0x33: {  	p0 =	seq.s32 s10, $0x1;
	s10 =	sld [smem:$0x3FAD];
	_ =	sdelay $0x3  }
0x34: {  	[smem:$0x3FAD] =	sst s10  }
0x35: {  	s10 =	sld [smem:$0x3FAC];
	_ =	sdelay $0x3  }
0x36: {  	p1 =	seq.s32 s10, $0x1;
	s10 =	sld [smem:$0x3FAD];
	_ =	sdelay $0x3  }
0x37: {  	[smem:$0x3FAD] =	sst s10  }
0x38: {  	s10 =	sld [smem:$0x3FAE]  }
0x39: {  	_ = 	snop;
	(pc) =	sbr.ind lr, $3  }
0x3a: {  	_ = 	snop  }
0x3b: {  	_ = 	snop  }
0x3c: {  	p2 =	seq.s32 s10, $0x1;
	s10 =	sld [smem:$0x3FAD]  }
0x3d: {  	_ =	shalt  }
0x3e: {  	_ =	shalt  }
0x3f: {  	_ =	shalt  }
0x40: {  	_ =	shalt  }
0x41: {  	_ =	shalt  }
0x42: {  	_ =	shalt  }
0x43: {  	_ =	shalt  }
0x44: {  	_ =	shalt  }
0x45: {  	_ =	shalt  }
0x46: {  	_ =	shalt  }
0x47: {  	_ =	shalt  }
0x48: {  	_ =	shalt  }
0x49: {  	_ =	shalt  }
0x4a: {  	_ =	shalt  }
0x4b: {  	_ =	shalt  }
0x4c: {  	_ =	shalt  }
0x4d: {  	_ =	shalt  }
0x4e: {  	_ =	shalt  }
0x4f: {  	_ =	shalt  }
0x50: {  	_ =	shalt  }
0x51: {  	_ =	shalt  }
0x52: {  	_ =	shalt  }
0x53: {  	_ =	shalt  }
0x54: {  	_ =	shalt  }
0x55: {  	_ =	shalt  }
0x56: {  	_ =	shalt  }
0x57: {  	_ =	shalt  }
0x58: {  	_ =	shalt  }
0x59: {  	_ =	shalt  }
0x5a: {  	_ =	shalt  }
0x5b: {  	_ =	shalt  }
0x5c: {  	_ =	shalt  }
0x5d: {  	_ =	shalt  }
0x5e: {  	_ =	shalt  }
0x5f: {  	_ =	shalt  }
0x60: {  	_ =	shalt  }
0x61: {  	_ =	shalt  }
0x62: {  	_ =	shalt  }
0x63: {  	_ =	shalt  }
0x64: {  	_ =	shalt  }
0x65: {  	_ =	shalt  }
0x66: {  	_ =	shalt  }
0x67: {  	_ =	shalt  }
0x68: {  	_ =	shalt  }
0x69: {  	_ =	shalt  }
0x6a: {  	_ =	shalt  }
0x6b: {  	_ =	shalt  }
0x6c: {  	_ =	shalt  }
0x6d: {  	_ =	shalt  }
0x6e: {  	_ =	shalt  }
0x6f: {  	_ =	shalt  }
0x70: {  	_ =	shalt  }
0x71: {  	_ =	shalt  }
0x72: {  	_ =	shalt  }
0x73: {  	_ =	shalt  }
0x74: {  	_ =	shalt  }
0x75: {  	_ =	shalt  }
0x76: {  	_ =	shalt  }
0x77: {  	_ =	shalt  }
0x78: {  	_ =	shalt  }
0x79: {  	_ =	shalt  }
0x7a: {  	_ =	shalt  }
0x7b: {  	_ =	shalt  }
0x7c: {  	_ =	shalt  }
0x7d: {  	_ =	shalt  }
0x7e: {  	_ =	shalt  }
0x7f: {  	_ =	shalt  }
0x80: {  	_ =	shalt  }
0x81: {  	_ =	shalt  }
0x82: {  	_ =	shalt  }
0x83: {  	_ =	shalt  }
0x84: {  	_ =	shalt  }
0x85: {  	_ =	shalt  }
0x86: {  	_ =	shalt  }
0x87: {  	_ =	shalt  }
.Lfunc_end0:
.L_simem_size_0:
called_computation_lowered:
.L_overlay_start_0:
0x88: {  	s2 =	sld [smem:$0x3FD9]  }
0x89: {  	s3 =	sld [smem:$0x3FFE];
	_ =	sdelay $0x1  }
0x8a: {  	s1 =	srdreg.scid  }
0x8b: {  	s0 =	sand.u32 $0x1, s1  }
0x8c: {  	s17 =	sshll.u32 s0, $0xA;
	s2 =	sadd.s32 s3, s2  }
0x8d: {  	s2 =	sadd.s32 s2, s17  }
0x8e: {  	[smem:$0x3FB9] =	sst s2  }
0x8f: {  	_ = 	snop  }
0x90: {  	s2 =	sld [smem:$0x3FC9];
	(tm) =	ssettm $0x1  }
0x91: {  	s18 =	sld [smem:$0x3FFB];
	_ =	sdelay $0x3  }
0x92: {  	_ =	strace s18  }
0x93: {  	s3 =	sld [smem:$0x3FFC];
	_ =	sdelay $0x3  }
0x94: {  	_ =	strace s3  }
0x95: {  	s3 =	sld [smem:$0x3FFD];
	_ =	sdelay $0x3  }
0x96: {  	_ =	strace s3  }
0x97: {  	_ =	strace $0x8FFFFFFF  }
0x98: {  	s19 =	sld [smem:$0x3FDB];
	_ =	sdelay $0x1  }
0x99: {  	s4 =	simm.s32 $_scs_section_size  }
0x9a: {  	s5 =	simm.s32 $_size__tile_overlayer_lowered;
	s6 =	simm.s32 $_tile_overlayer_lowered  }
0x9b: {  	s22 =	simm.s32 $0x1BFF;
	s21 =	sshll.u32 s6, $0x1;
	s3 =	sadd.s32 s4, s19  }
0x9c: {  	s7 =	simm.s32 $0x0;
	s20 =	sshll.u32 s5, $0x1;
	s5 =	sadd.s32 s21, s3  }
0x9d: {  	[timem:s7], [sflag:s22] =	dma.local [hbm:s5], s20  }
0x9e: {  	_ =	swait.ge [sflag:s22], s20  }
0x9f: {  	s4 =	ssub.s32 $0x0, s20;
	[sflag:s22] =	ssyncset.done $0x0  }
0xa0: {  	[sflag:s22] =	ssyncadd.s32 s4;
	_ =	sdelay $0x1  }
0xa1: {  	s23 =	simm.s32 $0x1B8B  }
0xa2: {  	_ =	swait.ge [sflag:s23], $0x1  }
0xa3: {  	[sflag:s23] =	ssyncset.done $0x0  }
0xa4: {  	s25 =	simm.s32 $0x1B8E;
	s24 =	sld [smem:$0x3FFE];
	[sflag:s23] =	ssyncadd.s32 $0xFFFFFFFF  }
0xa5: {  	s26 =	simm.s32 $execute0_lowered;
	[smem:$0x3FD2] =	sst s25  }
0xa6: {  	s5 =	sshll.u32 s26, $0x1;
	_ =	strace $0x80000046;
	[dreg:$0x1] =	wrdreg $0xFFFFFFFF  }
0xa7: {  	s28 =	simm.s32 $_size_execute0_lowered;
	s3 =	sadd.s32 s3, s5;
	[dreg:$0x0] =	wrdreg $0x0  }
0xa8: {  	s5 =	sshll.u32 s28, $0x1;
	[dreg:$0x2] =	wrdreg s3  }
0xa9: {  	[dreg:$0x3] =	wrdreg s5  }
0xaa: {  	[dreg:$0x4] =	wrdreg $0xC0  }
0xab: {  	_ =	task [dreg:s7], $0x5FFFF  }
0xac: {  	[dreg:$0x1] =	wrdreg $0xFFFFFFFF  }
0xad: {  	[dreg:$0x0] =	wrdreg $0x60  }
0xae: {  	[dreg:$0x2] =	wrdreg s2  }
0xaf: {  	[dreg:$0x3] =	wrdreg s24  }
0xb0: {  	[dreg:$0x4] =	wrdreg $0xA8000  }
0xb1: {  	[dreg:$0x5] =	wrdreg $0x9  }
0xb2: {  	_ =	task.clear_ibuf [dreg:s7], $0x6FFFF;
	_ =	strace $0x90000046  }
0xb3: {  	s29 =	simm.s32 $0x9;
	_ =	strace $0x80000048  }
0xb4: {  	_ =	swait.ge [sflag:s29], $0x1  }
0xb5: {  	[sflag:s29] =	ssyncadd.s32 $0xFFFFFFFF  }
0xb6: {  	_ =	strace $0x90000048  }
0xb7: {  	_ =	sfence  }
0xb8: {  	s30 =	sld [smem:$0x0];
	_ =	sdelay $0x2  }
0xb9: {  	s31 =	sshll.u32 s1, $0xD;
	s1 =	sshrl.u32 s1, $0x2  }
0xba: {  	s3 =	sand.u32 $0x4000, s31;
	s1 =	sadd.s32 s1, s30  }
0xbb: {  	s0 =	sor.u32 s3, s0;
	s1 =	sshll.u32 s1, $0x11  }
0xbc: {  	s0 =	sor.u32 s1, s0  }
0xbd: {  	s0 =	sadd.s32 $0x8F2B, s0  }
0xbe: {  	[sflag:s0] =	ssyncadd.remote.s32 $0x1  }
0xbf: {  	_ =	sfence.sel $0xFFFF  }
0xc0: {  	[dreg:$0x0] =	wrdreg $0xFFFFFFFF;
	(pc) =	sbr.abs _section_cstart, $3  }
0xc1: {  	[dreg:$0x1] =	wrdreg $0xFFFFFFFF  }
0xc2: {  	_ =	task.clear_ibuf [dreg:s7], $0x2FFFF;
	_ =	strace $0x9FFFFFFF  }
0xc3: {  	(tm) =	ssettm $0x7FFFFFFF  }
tec
execute0_lowered:
.L_overlay_start_1:
0x0: {  	(tag) =	ssettag $0x1  }
0x1: {  	s1 =	srdreg.scid;
	s2 =	rddreg [dreg:$0x0]  }
0x2: {  	s0 =	stileid.u32;
	s6 =	rddreg [dreg:$0x1]  }
0x3: {  	s3 =	rddreg [dreg:$0x2];
	s4 =	simm.s32 $0x0;
	s16 =	simm.s32 $0x2800  }
0x4: {  	s17 =	simm.s32 $0x1400;
	s18 =	simm.s32 $0x1;
	s19 =	simm.s32 $0x2  }
0x5: {  	s20 =	simm.s32 $0x80;
	s21 =	simm.s32 $0x6800;
	s22 =	simm.s32 $0x3  }
0x6: {  	s23 =	simm.s32 $0x1380;
	s24 =	simm.s32 $0x2700;
	s9 =	smul.u32 $0x14000, s0  }
0x7: {  	s5 =	sand.u32 $0x1, s1;
	s26 =	sshll.u32 s0, $0x1;
	s10 =	smul.u32 $0x50000, s0  }
0x8: {  	s25 =	simm.s32 $0x2780;
	s1 =	sor.u32 s5, s26;
	s8 =	smul.u32 $0x140000, s5  }
0x9: {  	[smem:$0x7FF] =	sst s4;
	s29 =	ssub.s32 $0x2, s5;
	s7 =	smul.u32 $0x2800, s1  }
0xa: {  	s1 =	rddreg [dreg:$0x3];
	_ =	strace $0x80000047;
	s30 =	sshrl.u32 s10, $0x2  }
0xb: {  	s31 =	sshrl.u32 s29, $0x1;
	s28 =	sadd.s32 s9, s8;
	s5 =	sadd.s32 s30, s3  }
0xc: {  	s15 =	ssub.s32 s29, s31;
	s7 =	sshrl.u32 s7, $0x3;
	s8 =	sadd.s32 $0xC000, s5  }
0xd: {  	s9 =	sadd.s32 $0x10000, s5;
	s13 =	sadd.s32 s7, s6;
	s7 =	sshrl.u32 s28, $0x3  }
0xe: {  	s15 =	smax.u32 s15, $0x1;
	s14 =	sadd.s32 s7, s6;
	s6 =	sadd.s32 $0x4000, s5  }
0xf: {  	s7 =	sadd.s32 $0x8000, s5;
	s10 =	sadd.s32 $0x3000, s13;
	s11 =	sadd.s32 $0xD000, s13  }
0x10: {  	v0 =	vimm.f32 $0.0e+00;
	s12 =	sadd.s32 $0x3280, s13;
	s13 =	sadd.s32 $0xD280, s13;
	s14 =	sadd.s32 $0x17000, s14  }
.LBB2_1:
0x11: {  	s26 =	simm.s32 $0x0;
	s28 =	simm.s32 $0x200  }
.LBB2_2:
0x12: {  	p0 =	sne.s32 s28, $0xFE00;
	[tilespmem:s26+$0x2870] =	vst v0  }
0x13: {  	[tilespmem:s26+$0x2800] =	vst v0  }
0x14: {  	[tilespmem:s26+$0x2810] =	vst v0  }
.Ltmp0:
0x15: {  	[tilespmem:s26+$0x2820] =	vst v0;
	(pc) =	sbr.rel @p0 .LBB2_2-.Ltmp0, $4  }
0x16: {  	[tilespmem:s26+$0x2830] =	vst v0  }
0x17: {  	[tilespmem:s26+$0x2840] =	vst v0  }
0x18: {  	[tilespmem:s26+$0x2850] =	vst v0  }
0x19: {  	[tilespmem:s26+$0x2860] =	vst v0;
	s26 =	sshra.s32 s28, $0x2;
	s28 =	sadd.s32 $0x200, s28  }
0x1a: {  	[tilespmem:s26+$0x2870] =	vst v0  }
0x1b: {  	[tilespmem:s26+$0x2800] =	vst v0  }
0x1c: {  	[tilespmem:s26+$0x2810] =	vst v0  }
0x1d: {  	[tilespmem:s26+$0x2820] =	vst v0  }
0x1e: {  	[tilespmem:s26+$0x2830] =	vst v0  }
0x1f: {  	[tilespmem:s26+$0x2840] =	vst v0  }
0x20: {  	[tilespmem:s26+$0x2850] =	vst v0  }
0x21: {  	[tilespmem:s26+$0x2860] =	vst v0  }
0x22: {  	[spmem:s5] =	stream.linear.scatter [tilespmem:s16], [sflag:$0x1], $0x4000, $0x38;
	[tilespmem:$0x1E800] =	vst v63  }
0x23: {  	_ = 	snop  }
0x24: {  	[spmem:s6] =	stream.linear.scatter [tilespmem:s16], [sflag:$0x1], $0x4000, $0x38;
	[tilespmem:$0x1E800] =	vst v63  }
0x25: {  	_ = 	snop  }
0x26: {  	[spmem:s7] =	stream.linear.scatter [tilespmem:s16], [sflag:$0x1], $0x4000, $0x38;
	[tilespmem:$0x1E800] =	vst v63  }
0x27: {  	_ = 	snop  }
0x28: {  	[spmem:s8] =	stream.linear.scatter [tilespmem:s16], [sflag:$0x1], $0x4000, $0x38;
	[tilespmem:$0x1E800] =	vst v63  }
0x29: {  	_ = 	snop  }
0x2a: {  	[spmem:s9] =	stream.linear.scatter [tilespmem:s16], [sflag:$0x1], $0x4000, $0x38;
	[tilespmem:$0x1E800] =	vst v63  }
0x2b: {  	s31 =	simm.s32 $0x0  }
0x2c: {  	[tilespmem:s31], [sflag:$0x2] =	stream.linear.gather [hbm4b:s10+s31], $0x1400, $0x38;
	[tilespmem:$0x1E800] =	vst v63  }
0x2d: {  	_ = 	snop  }
0x2e: {  	[tilespmem:s17], [sflag:$0x2] =	stream.linear.gather [hbm4b:s11+s31], $0x1400, $0x38;
	[tilespmem:$0x1E800] =	vst v63  }
0x2f: {  	_ =	swait.ge [sflag:s18], $0x4000  }
0x30: {  	[sflag:s18] =	ssyncset.done $0x0  }
0x31: {  	[sflag:s18] =	ssyncadd.s32 $0xFFFFC000  }
0x32: {  	_ =	swait.ge [sflag:s18], $0x4000  }
0x33: {  	[sflag:s18] =	ssyncset.done $0x0  }
0x34: {  	[sflag:s18] =	ssyncadd.s32 $0xFFFFC000  }
0x35: {  	_ =	swait.ge [sflag:s18], $0x4000  }
0x36: {  	[sflag:s18] =	ssyncset.done $0x0  }
0x37: {  	[sflag:s18] =	ssyncadd.s32 $0xFFFFC000  }
0x38: {  	_ =	swait.ge [sflag:s18], $0x4000  }
0x39: {  	[sflag:s18] =	ssyncset.done $0x0  }
0x3a: {  	[sflag:s18] =	ssyncadd.s32 $0xFFFFC000  }
0x3b: {  	_ =	swait.ge [sflag:s18], $0x4000  }
0x3c: {  	[sflag:s18] =	ssyncset.done $0x0  }
0x3d: {  	[sflag:s18] =	ssyncadd.s32 $0xFFFFC000  }
0x3e: {  	_ =	swait.ge [sflag:s19], $0x1400  }
0x3f: {  	[sflag:s19] =	ssyncset.done $0x0  }
0x40: {  	[sflag:s19] =	ssyncadd.s32 $0xFFFFEC00  }
0x41: {  	_ =	swait.ge [sflag:s19], $0x1400  }
0x42: {  	[sflag:s19] =	ssyncset.done $0x0  }
0x43: {  	[sflag:s19] =	ssyncadd.s32 $0xFFFFEC00  }
0x44: {  	[bflag:$0x0] =	sbarrier.arrive $0xFFFF  }
0x45: {  	[tilespmem:s16], [sflag:$0x1] =	stream.indirect.gather [hbm4b:s2+s20], $0x80, s31, s20, $0xb8;
	[tilespmem:$0x1E800] =	vst v63  }
0x46: {  	_ =	swait.ge [sflag:s18], $0x4000  }
0x47: {  	[sflag:s18] =	ssyncset.done $0x0  }
0x48: {  	s28 =	simm.s32 $0x80;
	[sflag:s18] =	ssyncadd.s32 $0xFFFFC000  }
0x49: {  	[tilespmem:s21], [sflag:$0x2] =	stream.indirect.gather [hbm4b:s2+s20], $0x80, s28, s20, $0xb8;
	[tilespmem:$0x1E800] =	vst v63  }
0x4a: {  	s29 =	simm.s32 $0x1400  }
0x4b: {  	[spmem:s3] =	stream.indirect.scatter.add.f32 [tilespmem:s16], [sflag:$0x3], $0x80, s29, s20, $0xb8;
	[tilespmem:$0x1E800] =	vst v63  }
0x4c: {  	_ =	swait.ge [sflag:s22], $0x4000  }
0x4d: {  	[sflag:s22] =	ssyncset.done $0x0  }
0x4e: {  	s30 =	simm.s32 $0x100;
	[sflag:s22] =	ssyncadd.s32 $0xFFFFC000  }
0x4f: {  	[tilespmem:s16], [sflag:$0x1] =	stream.indirect.gather [hbm4b:s2+s20], $0x80, s30, s20, $0xb8;
	[tilespmem:$0x1E800] =	vst v63  }
0x50: {  	_ =	swait.ge [sflag:s19], $0x4000  }
0x51: {  	[sflag:s19] =	ssyncset.done $0x0  }
0x52: {  	s31 =	simm.s32 $0x1480;
	[sflag:s19] =	ssyncadd.s32 $0xFFFFC000  }
0x53: {  	[spmem:s3] =	stream.indirect.scatter.add.f32 [tilespmem:s21], [sflag:$0x3], $0x80, s31, s20, $0xb8;
	[tilespmem:$0x1E800] =	vst v63  }
0x54: {  	_ =	swait.ge [sflag:s22], $0x4000  }
0x55: {  	s26 =	simm.s32 $0x400;
	[sflag:s22] =	ssyncset.done $0x0  }
.LBB2_4:
0x56: {  	p0 =	sne.s32 s26, $0x4800  }
0x57: {  	[sflag:s22] =	ssyncadd.s32 $0xFFFFC000;
	s28 =	smov.u32 s26;
	s26 =	sadd.s32 $0x400, s26  }
0x58: {  	_ =	swait.ge [sflag:s18], $0x4000  }
0x59: {  	s28 =	sshra.s32 s28, $0x2;
	[sflag:s18] =	ssyncset.done $0x0  }
0x5a: {  	s29 =	sadd.s32 $0x80, s28;
	[sflag:s18] =	ssyncadd.s32 $0xFFFFC000  }
0x5b: {  	[tilespmem:s21], [sflag:$0x2] =	stream.indirect.gather [hbm4b:s2+s20], $0x80, s29, s20, $0xb8;
	[tilespmem:$0x1E800] =	vst v63  }
0x5c: {  	s29 =	sadd.s32 $0x1400, s28  }
0x5d: {  	[spmem:s3] =	stream.indirect.scatter.add.f32 [tilespmem:s16], [sflag:$0x3], $0x80, s29, s20, $0xb8;
	[tilespmem:$0x1E800] =	vst v63  }
0x5e: {  	_ =	swait.ge [sflag:s22], $0x4000  }
0x5f: {  	[sflag:s22] =	ssyncset.done $0x0  }
0x60: {  	s29 =	sadd.s32 $0x100, s28;
	[sflag:s22] =	ssyncadd.s32 $0xFFFFC000  }
0x61: {  	[tilespmem:s16], [sflag:$0x1] =	stream.indirect.gather [hbm4b:s2+s20], $0x80, s29, s20, $0xb8;
	[tilespmem:$0x1E800] =	vst v63  }
0x62: {  	_ =	swait.ge [sflag:s19], $0x4000  }
.Ltmp1:
0x63: {  	[sflag:s19] =	ssyncset.done $0x0;
	(pc) =	sbr.rel @p0 .LBB2_4-.Ltmp1, $4  }
0x64: {  	s28 =	sadd.s32 $0x1480, s28;
	[sflag:s19] =	ssyncadd.s32 $0xFFFFC000  }
0x65: {  	[spmem:s3] =	stream.indirect.scatter.add.f32 [tilespmem:s21], [sflag:$0x3], $0x80, s28, s20, $0xb8;
	[tilespmem:$0x1E800] =	vst v63  }
0x66: {  	_ =	swait.ge [sflag:s22], $0x4000  }
0x67: {  	[sflag:s22] =	ssyncset.done $0x0  }
0x68: {  	[sflag:s22] =	ssyncadd.s32 $0xFFFFC000  }
0x69: {  	_ =	swait.ge [sflag:s18], $0x4000  }
0x6a: {  	[sflag:s18] =	ssyncset.done $0x0  }
0x6b: {  	[sflag:s18] =	ssyncadd.s32 $0xFFFFC000  }
0x6c: {  	[tilespmem:s21], [sflag:$0x2] =	stream.indirect.gather [hbm4b:s2+s20], $0x80, s23, s20, $0xb8;
	[tilespmem:$0x1E800] =	vst v63  }
0x6d: {  	_ = 	snop  }
0x6e: {  	[spmem:s3] =	stream.indirect.scatter.add.f32 [tilespmem:s16], [sflag:$0x3], $0x80, s24, s20, $0xb8;
	[tilespmem:$0x1E800] =	vst v63  }
0x6f: {  	_ =	swait.ge [sflag:s22], $0x4000  }
0x70: {  	[sflag:s22] =	ssyncset.done $0x0  }
0x71: {  	[sflag:s22] =	ssyncadd.s32 $0xFFFFC000  }
0x72: {  	_ =	swait.ge [sflag:s19], $0x4000  }
0x73: {  	[sflag:s19] =	ssyncset.done $0x0  }
0x74: {  	[sflag:s19] =	ssyncadd.s32 $0xFFFFC000  }
0x75: {  	[spmem:s3] =	stream.indirect.scatter.add.f32 [tilespmem:s21], [sflag:$0x3], $0x80, s25, s20, $0xb8;
	[tilespmem:$0x1E800] =	vst v63  }
0x76: {  	_ =	swait.ge [sflag:s22], $0x4000  }
0x77: {  	[sflag:s22] =	ssyncset.done $0x0  }
0x78: {  	s26 =	simm.s32 $0x0;
	[sflag:s22] =	ssyncadd.s32 $0xFFFFC000  }
0x79: {  	[tilespmem:s26], [sflag:$0x3] =	stream.linear.gather [hbm4b:s12+s26], $0x1400, $0x38;
	[tilespmem:$0x1E800] =	vst v63  }
0x7a: {  	_ =	swait.ge [sflag:s22], $0x1400  }
0x7b: {  	[sflag:s22] =	ssyncset.done $0x0  }
0x7c: {  	[sflag:s22] =	ssyncadd.s32 $0xFFFFEC00  }
0x7d: {  	[tilespmem:s17], [sflag:$0x3] =	stream.linear.gather [hbm4b:s13+s26], $0x1400, $0x38;
	[tilespmem:$0x1E800] =	vst v63  }
0x7e: {  	_ =	swait.ge [sflag:s22], $0x1400  }
0x7f: {  	[sflag:s22] =	ssyncset.done $0x0  }
0x80: {  	[sflag:s22] =	ssyncadd.s32 $0xFFFFEC00  }
0x81: {  	[tilespmem:s16], [sflag:$0x1] =	stream.indirect.gather [hbm4b:s2+s20], $0x80, s26, s20, $0xb8;
	[tilespmem:$0x1E800] =	vst v63  }
0x82: {  	_ =	swait.ge [sflag:s18], $0x4000  }
0x83: {  	[sflag:s18] =	ssyncset.done $0x0  }
0x84: {  	s28 =	simm.s32 $0x80;
	[sflag:s18] =	ssyncadd.s32 $0xFFFFC000  }
0x85: {  	[tilespmem:s21], [sflag:$0x2] =	stream.indirect.gather [hbm4b:s2+s20], $0x80, s28, s20, $0xb8;
	[tilespmem:$0x1E800] =	vst v63  }
0x86: {  	s29 =	simm.s32 $0x1400  }
0x87: {  	[spmem:s3] =	stream.indirect.scatter.add.f32 [tilespmem:s16], [sflag:$0x3], $0x80, s29, s20, $0xb8;
	[tilespmem:$0x1E800] =	vst v63  }
0x88: {  	_ =	swait.ge [sflag:s22], $0x4000  }
0x89: {  	[sflag:s22] =	ssyncset.done $0x0  }
0x8a: {  	s30 =	simm.s32 $0x100;
	[sflag:s22] =	ssyncadd.s32 $0xFFFFC000  }
0x8b: {  	[tilespmem:s16], [sflag:$0x1] =	stream.indirect.gather [hbm4b:s2+s20], $0x80, s30, s20, $0xb8;
	[tilespmem:$0x1E800] =	vst v63  }
0x8c: {  	_ =	swait.ge [sflag:s19], $0x4000  }
0x8d: {  	[sflag:s19] =	ssyncset.done $0x0  }
0x8e: {  	s31 =	simm.s32 $0x1480;
	[sflag:s19] =	ssyncadd.s32 $0xFFFFC000  }
0x8f: {  	[spmem:s3] =	stream.indirect.scatter.add.f32 [tilespmem:s21], [sflag:$0x3], $0x80, s31, s20, $0xb8;
	[tilespmem:$0x1E800] =	vst v63  }
0x90: {  	_ =	swait.ge [sflag:s22], $0x4000  }
0x91: {  	s26 =	simm.s32 $0x400;
	[sflag:s22] =	ssyncset.done $0x0  }
.LBB2_6:
0x92: {  	p0 =	sne.s32 s26, $0x4800  }
0x93: {  	[sflag:s22] =	ssyncadd.s32 $0xFFFFC000;
	s28 =	smov.u32 s26;
	s26 =	sadd.s32 $0x400, s26  }
0x94: {  	_ =	swait.ge [sflag:s18], $0x4000  }
0x95: {  	s28 =	sshra.s32 s28, $0x2;
	[sflag:s18] =	ssyncset.done $0x0  }
0x96: {  	s29 =	sadd.s32 $0x80, s28;
	[sflag:s18] =	ssyncadd.s32 $0xFFFFC000  }
0x97: {  	[tilespmem:s21], [sflag:$0x2] =	stream.indirect.gather [hbm4b:s2+s20], $0x80, s29, s20, $0xb8;
	[tilespmem:$0x1E800] =	vst v63  }
0x98: {  	s29 =	sadd.s32 $0x1400, s28  }
0x99: {  	[spmem:s3] =	stream.indirect.scatter.add.f32 [tilespmem:s16], [sflag:$0x3], $0x80, s29, s20, $0xb8;
	[tilespmem:$0x1E800] =	vst v63  }
0x9a: {  	_ =	swait.ge [sflag:s22], $0x4000  }
0x9b: {  	[sflag:s22] =	ssyncset.done $0x0  }
0x9c: {  	s29 =	sadd.s32 $0x100, s28;
	[sflag:s22] =	ssyncadd.s32 $0xFFFFC000  }
0x9d: {  	[tilespmem:s16], [sflag:$0x1] =	stream.indirect.gather [hbm4b:s2+s20], $0x80, s29, s20, $0xb8;
	[tilespmem:$0x1E800] =	vst v63  }
0x9e: {  	_ =	swait.ge [sflag:s19], $0x4000  }
.Ltmp2:
0x9f: {  	[sflag:s19] =	ssyncset.done $0x0;
	(pc) =	sbr.rel @p0 .LBB2_6-.Ltmp2, $4  }
0xa0: {  	s28 =	sadd.s32 $0x1480, s28;
	[sflag:s19] =	ssyncadd.s32 $0xFFFFC000  }
0xa1: {  	[spmem:s3] =	stream.indirect.scatter.add.f32 [tilespmem:s21], [sflag:$0x3], $0x80, s28, s20, $0xb8;
	[tilespmem:$0x1E800] =	vst v63  }
0xa2: {  	_ =	swait.ge [sflag:s22], $0x4000  }
0xa3: {  	[sflag:s22] =	ssyncset.done $0x0  }
0xa4: {  	[sflag:s22] =	ssyncadd.s32 $0xFFFFC000  }
0xa5: {  	_ =	swait.ge [sflag:s18], $0x4000  }
0xa6: {  	[sflag:s18] =	ssyncset.done $0x0  }
0xa7: {  	[sflag:s18] =	ssyncadd.s32 $0xFFFFC000  }
0xa8: {  	[tilespmem:s21], [sflag:$0x2] =	stream.indirect.gather [hbm4b:s2+s20], $0x80, s23, s20, $0xb8;
	[tilespmem:$0x1E800] =	vst v63  }
0xa9: {  	_ = 	snop  }
0xaa: {  	[spmem:s3] =	stream.indirect.scatter.add.f32 [tilespmem:s16], [sflag:$0x3], $0x80, s24, s20, $0xb8;
	[tilespmem:$0x1E800] =	vst v63  }
0xab: {  	_ =	swait.ge [sflag:s22], $0x4000  }
0xac: {  	[sflag:s22] =	ssyncset.done $0x0  }
0xad: {  	[sflag:s22] =	ssyncadd.s32 $0xFFFFC000  }
0xae: {  	_ =	swait.ge [sflag:s19], $0x4000  }
0xaf: {  	[sflag:s19] =	ssyncset.done $0x0  }
0xb0: {  	[sflag:s19] =	ssyncadd.s32 $0xFFFFC000  }
0xb1: {  	[spmem:s3] =	stream.indirect.scatter.add.f32 [tilespmem:s21], [sflag:$0x3], $0x80, s25, s20, $0xb8;
	[tilespmem:$0x1E800] =	vst v63  }
0xb2: {  	_ =	swait.ge [sflag:s22], $0x4000  }
0xb3: {  	s26 =	sshll.u32 s0, $0x6;
	s4 =	sadd.s32 $0x1, s4;
	[sflag:s22] =	ssyncset.done $0x0  }
0xb4: {  	s28 =	sshrl.u32 s5, $0x3;
	p0 =	sne.s32 s4, s15;
	[sflag:s22] =	ssyncadd.s32 $0xFFFFC000  }
.Ltmp3:
0xb5: {  	s26 =	sor.u32 $0x1C03, s26;
	[bflag:$0x0] =	sbarrier.arrive $0xFFFF;
	(pc) =	sbr.rel @p0 .LBB2_1-.Ltmp3, $4  }
0xb6: {  	[hbm:s14], [sflag:s26] =	dma.local [spmem:s28], $0x2800  }
0xb7: {  	_ =	swait.ge [sflag:s22], $0x2800  }
0xb8: {  	[sflag:s22] =	ssyncset.done $0x0  }
0xb9: {  	[sflag:s22] =	ssyncadd.s32 $0xFFFFD800  }
0xba: {  	_ =	sfence.sel $0x180000  }
0xbb: {  	[bflag:$0x0] =	sbarrier.arrive $0xFFFF  }
0xbc: {  	p0 =	sne.s32 s0, $0x0;
	_ =	strace $0x90000047  }
0xbd: {  	s0 =	sadd.s32 @!p0 $0x100000, s1;
	[bflag:$0x2] =	sbarrier.arrive $0xFFFF  }
0xbe: {  	[sflag:s0] =	ssyncadd.tile.s32 @!p0 $0x1;
	_ =	shalt  }
.Lfunc_end2:
_tile_overlayer_lowered:
.L_overlay_start_2:
0xbf: {  	(tag) =	ssettag $0x2  }
0xc0: {  	s0 =	rddreg [dreg:$0x0];
	s2 =	stileid.u32  }
0xc1: {  	s1 =	rddreg [dreg:$0x1];
	p0 =	sne.s32 s2, $0x0  }
0xc2: {  	s3 =	rddreg [dreg:$0x2];
	[bflag:$0x3] =	sbarrier.arrive $0xFFFF;
	s2 =	simm.s32 @!p0 $0x1C03  }
0xc3: {  	[timem:s3], [sflag:s2] =	dma.local @!p0 [hbm:s0], s1  }
0xc4: {  	s0 =	simm.s32 @!p0 $0x3  }
0xc5: {  	_ =	swait.ge @!p0 [sflag:s0], s1  }
0xc6: {  	s1 =	ssub.s32 @!p0 $0x0, s1;
	[sflag:s0] =	ssyncset.done @!p0 $0x0  }
0xc7: {  	[sflag:s0] =	ssyncadd.s32 @!p0 s1  }
0xc8: {  	[bflag:$0x3] =	sbarrier.arrive $0xFFFF  }
0xc9: {  	_ =	shalt  }

// kernel: kernel.9.cloned.1.call-start
scs
__scs_entry_jumppad:
0x0: {  	(pc) =	sbr.rel $0x88, $3  }
0x1: {  	(tag) =	ssettag $0x0;
	lr =	simm.s32 $0x1  }
0x2: {  	[smem:$0x3F92] =	sst lr;
	_ =	strace $0xD0000000  }
0x3: {  	_ = 	snop  }
0x4: {  	_ = 	snop  }
0x5: {  	_ = 	snop  }
0x6: {  	_ = 	snop  }
0x7: {  	_ = 	snop  }
__scs_overlays_trampoline_lowered:
0x8: {  	[smem:$0x3FA1] =	sst s0  }
0x9: {  	[smem:$0x3FA2] =	sst s1  }
0xa: {  	[smem:$0x3FA3] =	sst s2  }
0xb: {  	[smem:$0x3FA4] =	sst s3  }
0xc: {  	[smem:$0x3FA5] =	sst s4  }
0xd: {  	[smem:$0x3FA6] =	sst s5  }
0xe: {  	[smem:$0x3FA7] =	sst s6  }
0xf: {  	[smem:$0x3FA8] =	sst s7  }
0x10: {  	[smem:$0x3FA9] =	sst s8  }
0x11: {  	[smem:$0x3FAA] =	sst s9;
	s0 =	simm.s32 @!p0 $0x0  }
0x12: {  	s1 =	sld [smem:$0x3F90];
	s0 =	simm.s32 @p0 $0x1  }
0x13: {  	[smem:$0x3FAB] =	sst s0;
	s0 =	simm.s32 @!p1 $0x0  }
0x14: {  	s2 =	sld [smem:$0x3F8F];
	s0 =	simm.s32 @p1 $0x1  }
0x15: {  	[smem:$0x3FAC] =	sst s0;
	s0 =	simm.s32 @!p2 $0x0  }
0x16: {  	s3 =	sld [smem:$0x3FDB];
	s0 =	simm.s32 @p2 $0x1  }
0x17: {  	s4 =	simm.s32 $0x1BF5;
	[smem:$0x3FAE] =	sst s0  }
0x18: {  	s0 =	sld [smem:$0x3F91];
	_ =	swait.ge [sflag:s4], $0x0  }
0x19: {  	s7 =	sld [smem:$0x3F92]  }
0x1a: {  	s8 =	sadd.s32 $0xFFFFE003, lr  }
0x1b: {  	s9 =	sadd.s32 $0xFFFFFEF7, lr;
	s5 =	simm.s32 $0xFFFFFFFF;
	p2 =	slt.u32 s8, $0xFFFFF086  }
0x1c: {  	p1 =	slt.u32 s9, $0xF7A;
	s5 =	simm.s32 @!p2 $0x0  }
0x1d: {  	s5 =	simm.s32 @p1 $0x1;
	p0 =	seq.s32 s7, s2  }
0x1e: {  	s7 =	smul.u32 @!p0 $0xF7A, s2;
	p2 =	seq.s32 @!p0 s5, $0x0  }
0x1f: {  	s9 =	smul.u32 $0xF7A, s1;
	s8 =	simm.s32 @!p0 $0x1BF5;
	p2 =	por !p2, p0  }
0x20: {  	[sflag:s8] =	ssyncset.s32 @!p0 $0xFFFFF086;
	s6 =	sadd.s32 @!p0 s3, s7;
	s7 =	simm.s32 @!p0 $0x108  }
0x21: {  	s3 =	sadd.s32 s3, s9;
	s6 =	sadd.s32 @!p0 $0x88, s6;
	s7 =	simm.s32 @p2 $0x1082  }
0x22: {  	[simem:s7], [sflag:s8] =	dma.local @!p0 [hbm:s6], $0xF7A  }
0x23: {  	s9 =	sor.u32 $0xD0000000, s2;
	s6 =	simm.s32 $0x108;
	_ =	swait.ge @!p0 [sflag:s8], $0x0  }
0x24: {  	s3 =	sadd.s32 $0x88, s3;
	s6 =	simm.s32 @!p1 $0x1082;
	[sflag:s4] =	ssyncset.s32 $0xFFFFF086  }
0x25: {  	[simem:s6], [sflag:s4] =	dma.local [hbm:s3], $0xF7A  }
0x26: {  	[smem:$0x3F92] =	sst s1;
	(tag) =	ssettag s2;
	_ =	strace s9  }
0x27: {  	s1 =	sld [smem:$0x3FA2]  }
0x28: {  	s2 =	sld [smem:$0x3FA3]  }
0x29: {  	s4 =	sld [smem:$0x3FA5]  }
0x2a: {  	p0 =	seq.s32 s5, $0x0;
	s5 =	sld [smem:$0x3FA6]  }
0x2b: {  	s6 =	sld [smem:$0x3FA7]  }
0x2c: {  	s7 =	sld [smem:$0x3FA8]  }
0x2d: {  	s3 =	simm.s32 $0x108;
	s8 =	sld [smem:$0x3FA9]  }
0x2e: {  	s3 =	simm.s32 @!p0 $0x1082;
	s9 =	sld [smem:$0x3FAA]  }
0x2f: {  	lr =	sadd.s32 s0, s3;
	s0 =	sld [smem:$0x3FA1]  }
0x30: {  	s3 =	sld [smem:$0x3FA4]  }
0x31: {  	[smem:$0x3FAD] =	sst s10  }
0x32: {  	s10 =	sld [smem:$0x3FAB];
	_ =	sdelay $0x3  }
0x33: {  	p0 =	seq.s32 s10, $0x1;
	s10 =	sld [smem:$0x3FAD];
	_ =	sdelay $0x3  }
0x34: {  	[smem:$0x3FAD] =	sst s10  }
0x35: {  	s10 =	sld [smem:$0x3FAC];
	_ =	sdelay $0x3  }
0x36: {  	p1 =	seq.s32 s10, $0x1;
	s10 =	sld [smem:$0x3FAD];
	_ =	sdelay $0x3  }
0x37: {  	[smem:$0x3FAD] =	sst s10  }
0x38: {  	s10 =	sld [smem:$0x3FAE]  }
0x39: {  	_ = 	snop;
	(pc) =	sbr.ind lr, $3  }
0x3a: {  	_ = 	snop  }
0x3b: {  	_ = 	snop  }
0x3c: {  	p2 =	seq.s32 s10, $0x1;
	s10 =	sld [smem:$0x3FAD]  }
0x3d: {  	_ =	shalt  }
0x3e: {  	_ =	shalt  }
0x3f: {  	_ =	shalt  }
0x40: {  	_ =	shalt  }
0x41: {  	_ =	shalt  }
0x42: {  	_ =	shalt  }
0x43: {  	_ =	shalt  }
0x44: {  	_ =	shalt  }
0x45: {  	_ =	shalt  }
0x46: {  	_ =	shalt  }
0x47: {  	_ =	shalt  }
0x48: {  	_ =	shalt  }
0x49: {  	_ =	shalt  }
0x4a: {  	_ =	shalt  }
0x4b: {  	_ =	shalt  }
0x4c: {  	_ =	shalt  }
0x4d: {  	_ =	shalt  }
0x4e: {  	_ =	shalt  }
0x4f: {  	_ =	shalt  }
0x50: {  	_ =	shalt  }
0x51: {  	_ =	shalt  }
0x52: {  	_ =	shalt  }
0x53: {  	_ =	shalt  }
0x54: {  	_ =	shalt  }
0x55: {  	_ =	shalt  }
0x56: {  	_ =	shalt  }
0x57: {  	_ =	shalt  }
0x58: {  	_ =	shalt  }
0x59: {  	_ =	shalt  }
0x5a: {  	_ =	shalt  }
0x5b: {  	_ =	shalt  }
0x5c: {  	_ =	shalt  }
0x5d: {  	_ =	shalt  }
0x5e: {  	_ =	shalt  }
0x5f: {  	_ =	shalt  }
0x60: {  	_ =	shalt  }
0x61: {  	_ =	shalt  }
0x62: {  	_ =	shalt  }
0x63: {  	_ =	shalt  }
0x64: {  	_ =	shalt  }
0x65: {  	_ =	shalt  }
0x66: {  	_ =	shalt  }
0x67: {  	_ =	shalt  }
0x68: {  	_ =	shalt  }
0x69: {  	_ =	shalt  }
0x6a: {  	_ =	shalt  }
0x6b: {  	_ =	shalt  }
0x6c: {  	_ =	shalt  }
0x6d: {  	_ =	shalt  }
0x6e: {  	_ =	shalt  }
0x6f: {  	_ =	shalt  }
0x70: {  	_ =	shalt  }
0x71: {  	_ =	shalt  }
0x72: {  	_ =	shalt  }
0x73: {  	_ =	shalt  }
0x74: {  	_ =	shalt  }
0x75: {  	_ =	shalt  }
0x76: {  	_ =	shalt  }
0x77: {  	_ =	shalt  }
0x78: {  	_ =	shalt  }
0x79: {  	_ =	shalt  }
0x7a: {  	_ =	shalt  }
0x7b: {  	_ =	shalt  }
0x7c: {  	_ =	shalt  }
0x7d: {  	_ =	shalt  }
0x7e: {  	_ =	shalt  }
0x7f: {  	_ =	shalt  }
0x80: {  	_ =	shalt  }
0x81: {  	_ =	shalt  }
0x82: {  	_ =	shalt  }
0x83: {  	_ =	shalt  }
0x84: {  	_ =	shalt  }
0x85: {  	_ =	shalt  }
0x86: {  	_ =	shalt  }
0x87: {  	_ =	shalt  }
.Lfunc_end0:
.L_simem_size_0:
called_computation.1_lowered:
.L_overlay_start_0:
0x88: {  	s2 =	sld [smem:$0x3FD9]  }
0x89: {  	s3 =	sld [smem:$0x3FFE];
	_ =	sdelay $0x1  }
0x8a: {  	s1 =	srdreg.scid  }
0x8b: {  	s0 =	sand.u32 $0x1, s1  }
0x8c: {  	s16 =	sshll.u32 s0, $0xA;
	s2 =	sadd.s32 s3, s2  }
0x8d: {  	s2 =	sadd.s32 s2, s16  }
0x8e: {  	[smem:$0x3FB9] =	sst s2  }
0x8f: {  	_ = 	snop  }
0x90: {  	(tm) =	ssettm $0x1  }
0x91: {  	s17 =	sld [smem:$0x3FFB];
	_ =	sdelay $0x3  }
0x92: {  	_ =	strace s17  }
0x93: {  	s2 =	sld [smem:$0x3FFC];
	_ =	sdelay $0x3  }
0x94: {  	_ =	strace s2  }
0x95: {  	s2 =	sld [smem:$0x3FFD];
	_ =	sdelay $0x3  }
0x96: {  	_ =	strace s2  }
0x97: {  	_ =	strace $0x8FFFFFFF  }
0x98: {  	s18 =	sld [smem:$0x3FDB];
	_ =	sdelay $0x1  }
0x99: {  	s19 =	simm.s32 $_scs_section_size  }
0x9a: {  	s4 =	simm.s32 $_size__tile_overlayer_lowered;
	s5 =	simm.s32 $_tile_overlayer_lowered  }
0x9b: {  	s22 =	simm.s32 $0x1BFF;
	s21 =	sshll.u32 s5, $0x1;
	s2 =	sadd.s32 s19, s18  }
0x9c: {  	s6 =	simm.s32 $0x0;
	s20 =	sshll.u32 s4, $0x1;
	s4 =	sadd.s32 s21, s2  }
0x9d: {  	[timem:s6], [sflag:s22] =	dma.local [hbm:s4], s20  }
0x9e: {  	_ =	swait.ge [sflag:s22], s20  }
0x9f: {  	s3 =	ssub.s32 $0x0, s20;
	[sflag:s22] =	ssyncset.done $0x0  }
0xa0: {  	[sflag:s22] =	ssyncadd.s32 s3;
	_ =	sdelay $0x1  }
0xa1: {  	s23 =	simm.s32 $0x1B8B  }
0xa2: {  	_ =	swait.ge [sflag:s23], $0x1  }
0xa3: {  	[sflag:s23] =	ssyncset.done $0x0  }
0xa4: {  	s25 =	simm.s32 $0x1B8E;
	s24 =	sld [smem:$0x3FFE];
	[sflag:s23] =	ssyncadd.s32 $0xFFFFFFFF  }
0xa5: {  	s26 =	simm.s32 $execute0_lowered;
	[smem:$0x3FD2] =	sst s25  }
0xa6: {  	s4 =	sshll.u32 s26, $0x1;
	_ =	strace $0x80000049;
	[dreg:$0x1] =	wrdreg $0xFFFFFFFF  }
0xa7: {  	s28 =	simm.s32 $_size_execute0_lowered;
	s2 =	sadd.s32 s2, s4;
	[dreg:$0x0] =	wrdreg $0x0  }
0xa8: {  	s4 =	sshll.u32 s28, $0x1;
	[dreg:$0x2] =	wrdreg s2  }
0xa9: {  	[dreg:$0x3] =	wrdreg s4  }
0xaa: {  	[dreg:$0x4] =	wrdreg $0xC0  }
0xab: {  	_ =	task [dreg:s6], $0x5FFFF  }
0xac: {  	[dreg:$0x1] =	wrdreg $0xFFFFFFFF  }
0xad: {  	[dreg:$0x0] =	wrdreg $0x60  }
0xae: {  	[dreg:$0x2] =	wrdreg s24  }
0xaf: {  	[dreg:$0x3] =	wrdreg $0xA8000  }
0xb0: {  	[dreg:$0x4] =	wrdreg $0x9  }
0xb1: {  	_ =	task.clear_ibuf [dreg:s6], $0x5FFFF;
	_ =	strace $0x90000049  }
0xb2: {  	s29 =	simm.s32 $0x9;
	_ =	strace $0x8000004B  }
0xb3: {  	_ =	swait.ge [sflag:s29], $0x1  }
0xb4: {  	[sflag:s29] =	ssyncadd.s32 $0xFFFFFFFF  }
0xb5: {  	_ =	strace $0x9000004B  }
0xb6: {  	_ =	sfence  }
0xb7: {  	s30 =	sld [smem:$0x0];
	_ =	sdelay $0x2  }
0xb8: {  	s31 =	sshll.u32 s1, $0xD;
	s1 =	sshrl.u32 s1, $0x2  }
0xb9: {  	s3 =	sand.u32 $0x4000, s31;
	s1 =	sadd.s32 s1, s30  }
0xba: {  	s0 =	sor.u32 s3, s0;
	s1 =	sshll.u32 s1, $0x11  }
0xbb: {  	s0 =	sor.u32 s1, s0  }
0xbc: {  	s0 =	sadd.s32 $0x8F2B, s0  }
0xbd: {  	[sflag:s0] =	ssyncadd.remote.s32 $0x1  }
0xbe: {  	_ =	sfence.sel $0xFFFF  }
0xbf: {  	[dreg:$0x0] =	wrdreg $0xFFFFFFFF;
	(pc) =	sbr.abs _section_cstart, $3  }
0xc0: {  	[dreg:$0x1] =	wrdreg $0xFFFFFFFF  }
0xc1: {  	_ =	task.clear_ibuf [dreg:s6], $0x2FFFF;
	_ =	strace $0x9FFFFFFF  }
0xc2: {  	(tm) =	ssettm $0x7FFFFFFF  }
0xc3: {  	_ =	shalt  }
tec
execute0_lowered:
.L_overlay_start_1:
0x0: {  	(tag) =	ssettag $0x1  }
0x1: {  	s1 =	srdreg.scid;
	s6 =	rddreg [dreg:$0x0]  }
0x2: {  	s0 =	stileid.u32;
	s2 =	rddreg [dreg:$0x1]  }
0x3: {  	s3 =	simm.s32 $0x0;
	s16 =	simm.s32 $0x2800;
	s17 =	simm.s32 $0x1400  }
0x4: {  	s18 =	simm.s32 $0x1;
	s19 =	simm.s32 $0x2;
	s20 =	simm.s32 $0x80  }
0x5: {  	s21 =	simm.s32 $0x6800;
	s22 =	simm.s32 $0x3;
	s23 =	simm.s32 $0x1380  }
0x6: {  	s24 =	simm.s32 $0x2700;
	s25 =	simm.s32 $0x2780;
	s8 =	smul.u32 $0x14000, s0  }
0x7: {  	s5 =	sand.u32 $0x1, s1;
	s28 =	sshll.u32 s0, $0x1;
	s10 =	smul.u32 $0x50000, s0  }
0x8: {  	[smem:$0x7FF] =	sst s3;
	s1 =	sor.u32 s5, s28;
	s7 =	smul.u32 $0x140000, s5  }
0x9: {  	s29 =	ssub.s32 $0x2, s5;
	s4 =	smul.u32 $0x2800, s1;
	s1 =	rddreg [dreg:$0x2]  }
0xa: {  	_ =	strace $0x8000004A;
	s30 =	sshrl.u32 s10, $0x2;
	s31 =	sshrl.u32 s29, $0x1  }
0xb: {  	s7 =	sadd.s32 s8, s7;
	s5 =	sadd.s32 s30, s2;
	s15 =	ssub.s32 s29, s31  }
0xc: {  	s9 =	sshrl.u32 s4, $0x3;
	s4 =	sadd.s32 $0x17000, s6;
	s7 =	sshrl.u32 s7, $0x3  }
0xd: {  	s8 =	sadd.s32 $0xC000, s5;
	s15 =	smax.u32 s15, $0x1;
	s13 =	sadd.s32 s9, s6  }
0xe: {  	s14 =	sadd.s32 s7, s6;
	s6 =	sadd.s32 $0x4000, s5;
	s7 =	sadd.s32 $0x8000, s5  }
0xf: {  	s9 =	sadd.s32 $0x10000, s5;
	s10 =	sadd.s32 $0x3000, s13;
	s11 =	sadd.s32 $0xD000, s13  }
0x10: {  	v0 =	vimm.f32 $0.0e+00;
	s12 =	sadd.s32 $0x3280, s13;
	s13 =	sadd.s32 $0xD280, s13;
	s14 =	sadd.s32 $0x3E200, s14  }
.LBB2_1:
0x11: {  	s26 =	simm.s32 $0x0;
	s28 =	simm.s32 $0x200  }
.LBB2_2:
0x12: {  	p0 =	sne.s32 s28, $0xFE00;
	[tilespmem:s26+$0x2870] =	vst v0  }
0x13: {  	[tilespmem:s26+$0x2800] =	vst v0  }
0x14: {  	[tilespmem:s26+$0x2810] =	vst v0  }
.Ltmp0:
0x15: {  	[tilespmem:s26+$0x2820] =	vst v0;
	(pc) =	sbr.rel @p0 .LBB2_2-.Ltmp0, $4  }
0x16: {  	[tilespmem:s26+$0x2830] =	vst v0  }
0x17: {  	[tilespmem:s26+$0x2840] =	vst v0  }
0x18: {  	[tilespmem:s26+$0x2850] =	vst v0  }
0x19: {  	[tilespmem:s26+$0x2860] =	vst v0;
	s26 =	sshra.s32 s28, $0x2;
	s28 =	sadd.s32 $0x200, s28  }
0x1a: {  	[tilespmem:s26+$0x2870] =	vst v0  }
0x1b: {  	[tilespmem:s26+$0x2800] =	vst v0  }
0x1c: {  	[tilespmem:s26+$0x2810] =	vst v0  }
0x1d: {  	[tilespmem:s26+$0x2820] =	vst v0  }
0x1e: {  	[tilespmem:s26+$0x2830] =	vst v0  }
0x1f: {  	[tilespmem:s26+$0x2840] =	vst v0  }
0x20: {  	[tilespmem:s26+$0x2850] =	vst v0  }
0x21: {  	[tilespmem:s26+$0x2860] =	vst v0  }
0x22: {  	[spmem:s5] =	stream.linear.scatter [tilespmem:s16], [sflag:$0x1], $0x4000, $0x38;
	[tilespmem:$0x1E800] =	vst v63  }
0x23: {  	_ = 	snop  }
0x24: {  	[spmem:s6] =	stream.linear.scatter [tilespmem:s16], [sflag:$0x1], $0x4000, $0x38;
	[tilespmem:$0x1E800] =	vst v63  }
0x25: {  	_ = 	snop  }
0x26: {  	[spmem:s7] =	stream.linear.scatter [tilespmem:s16], [sflag:$0x1], $0x4000, $0x38;
	[tilespmem:$0x1E800] =	vst v63  }
0x27: {  	_ = 	snop  }
0x28: {  	[spmem:s8] =	stream.linear.scatter [tilespmem:s16], [sflag:$0x1], $0x4000, $0x38;
	[tilespmem:$0x1E800] =	vst v63  }
0x29: {  	_ = 	snop  }
0x2a: {  	[spmem:s9] =	stream.linear.scatter [tilespmem:s16], [sflag:$0x1], $0x4000, $0x38;
	[tilespmem:$0x1E800] =	vst v63  }
0x2b: {  	s31 =	simm.s32 $0x0  }
0x2c: {  	[tilespmem:s31], [sflag:$0x2] =	stream.linear.gather [hbm4b:s10+s31], $0x1400, $0x38;
	[tilespmem:$0x1E800] =	vst v63  }
0x2d: {  	_ = 	snop  }
0x2e: {  	[tilespmem:s17], [sflag:$0x2] =	stream.linear.gather [hbm4b:s11+s31], $0x1400, $0x38;
	[tilespmem:$0x1E800] =	vst v63  }
0x2f: {  	_ =	swait.ge [sflag:s18], $0x4000  }
0x30: {  	[sflag:s18] =	ssyncset.done $0x0  }
0x31: {  	[sflag:s18] =	ssyncadd.s32 $0xFFFFC000  }
0x32: {  	_ =	swait.ge [sflag:s18], $0x4000  }
0x33: {  	[sflag:s18] =	ssyncset.done $0x0  }
0x34: {  	[sflag:s18] =	ssyncadd.s32 $0xFFFFC000  }
0x35: {  	_ =	swait.ge [sflag:s18], $0x4000  }
0x36: {  	[sflag:s18] =	ssyncset.done $0x0  }
0x37: {  	[sflag:s18] =	ssyncadd.s32 $0xFFFFC000  }
0x38: {  	_ =	swait.ge [sflag:s18], $0x4000  }
0x39: {  	[sflag:s18] =	ssyncset.done $0x0  }
0x3a: {  	[sflag:s18] =	ssyncadd.s32 $0xFFFFC000  }
0x3b: {  	_ =	swait.ge [sflag:s18], $0x4000  }
0x3c: {  	[sflag:s18] =	ssyncset.done $0x0  }
0x3d: {  	[sflag:s18] =	ssyncadd.s32 $0xFFFFC000  }
0x3e: {  	_ =	swait.ge [sflag:s19], $0x1400  }
0x3f: {  	[sflag:s19] =	ssyncset.done $0x0  }
0x40: {  	[sflag:s19] =	ssyncadd.s32 $0xFFFFEC00  }
0x41: {  	_ =	swait.ge [sflag:s19], $0x1400  }
0x42: {  	[sflag:s19] =	ssyncset.done $0x0  }
0x43: {  	[sflag:s19] =	ssyncadd.s32 $0xFFFFEC00  }
0x44: {  	[bflag:$0x0] =	sbarrier.arrive $0xFFFF  }
0x45: {  	[tilespmem:s16], [sflag:$0x1] =	stream.indirect.gather [hbm4b:s4+s20], $0x80, s31, s20, $0xb8;
	[tilespmem:$0x1E800] =	vst v63  }
0x46: {  	_ =	swait.ge [sflag:s18], $0x4000  }
0x47: {  	[sflag:s18] =	ssyncset.done $0x0  }
0x48: {  	s28 =	simm.s32 $0x80;
	[sflag:s18] =	ssyncadd.s32 $0xFFFFC000  }
0x49: {  	[tilespmem:s21], [sflag:$0x2] =	stream.indirect.gather [hbm4b:s4+s20], $0x80, s28, s20, $0xb8;
	[tilespmem:$0x1E800] =	vst v63  }
0x4a: {  	s29 =	simm.s32 $0x1400  }
0x4b: {  	[spmem:s2] =	stream.indirect.scatter.add.f32 [tilespmem:s16], [sflag:$0x3], $0x80, s29, s20, $0xb8;
	[tilespmem:$0x1E800] =	vst v63  }
0x4c: {  	_ =	swait.ge [sflag:s22], $0x4000  }
0x4d: {  	[sflag:s22] =	ssyncset.done $0x0  }
0x4e: {  	s30 =	simm.s32 $0x100;
	[sflag:s22] =	ssyncadd.s32 $0xFFFFC000  }
0x4f: {  	[tilespmem:s16], [sflag:$0x1] =	stream.indirect.gather [hbm4b:s4+s20], $0x80, s30, s20, $0xb8;
	[tilespmem:$0x1E800] =	vst v63  }
0x50: {  	_ =	swait.ge [sflag:s19], $0x4000  }
0x51: {  	[sflag:s19] =	ssyncset.done $0x0  }
0x52: {  	s31 =	simm.s32 $0x1480;
	[sflag:s19] =	ssyncadd.s32 $0xFFFFC000  }
0x53: {  	[spmem:s2] =	stream.indirect.scatter.add.f32 [tilespmem:s21], [sflag:$0x3], $0x80, s31, s20, $0xb8;
	[tilespmem:$0x1E800] =	vst v63  }
0x54: {  	_ =	swait.ge [sflag:s22], $0x4000  }
0x55: {  	s26 =	simm.s32 $0x400;
	[sflag:s22] =	ssyncset.done $0x0  }
.LBB2_4:
0x56: {  	p0 =	sne.s32 s26, $0x4800  }
0x57: {  	[sflag:s22] =	ssyncadd.s32 $0xFFFFC000;
	s28 =	smov.u32 s26;
	s26 =	sadd.s32 $0x400, s26  }
0x58: {  	_ =	swait.ge [sflag:s18], $0x4000  }
0x59: {  	s28 =	sshra.s32 s28, $0x2;
	[sflag:s18] =	ssyncset.done $0x0  }
0x5a: {  	s29 =	sadd.s32 $0x80, s28;
	[sflag:s18] =	ssyncadd.s32 $0xFFFFC000  }
0x5b: {  	[tilespmem:s21], [sflag:$0x2] =	stream.indirect.gather [hbm4b:s4+s20], $0x80, s29, s20, $0xb8;
	[tilespmem:$0x1E800] =	vst v63  }
0x5c: {  	s29 =	sadd.s32 $0x1400, s28  }
0x5d: {  	[spmem:s2] =	stream.indirect.scatter.add.f32 [tilespmem:s16], [sflag:$0x3], $0x80, s29, s20, $0xb8;
	[tilespmem:$0x1E800] =	vst v63  }
0x5e: {  	_ =	swait.ge [sflag:s22], $0x4000  }
0x5f: {  	[sflag:s22] =	ssyncset.done $0x0  }
0x60: {  	s29 =	sadd.s32 $0x100, s28;
	[sflag:s22] =	ssyncadd.s32 $0xFFFFC000  }
0x61: {  	[tilespmem:s16], [sflag:$0x1] =	stream.indirect.gather [hbm4b:s4+s20], $0x80, s29, s20, $0xb8;
	[tilespmem:$0x1E800] =	vst v63  }
0x62: {  	_ =	swait.ge [sflag:s19], $0x4000  }
.Ltmp1:
0x63: {  	[sflag:s19] =	ssyncset.done $0x0;
	(pc) =	sbr.rel @p0 .LBB2_4-.Ltmp1, $4  }
0x64: {  	s28 =	sadd.s32 $0x1480, s28;
	[sflag:s19] =	ssyncadd.s32 $0xFFFFC000  }
0x65: {  	[spmem:s2] =	stream.indirect.scatter.add.f32 [tilespmem:s21], [sflag:$0x3], $0x80, s28, s20, $0xb8;
	[tilespmem:$0x1E800] =	vst v63  }
0x66: {  	_ =	swait.ge [sflag:s22], $0x4000  }
0x67: {  	[sflag:s22] =	ssyncset.done $0x0  }
0x68: {  	[sflag:s22] =	ssyncadd.s32 $0xFFFFC000  }
0x69: {  	_ =	swait.ge [sflag:s18], $0x4000  }
0x6a: {  	[sflag:s18] =	ssyncset.done $0x0  }
0x6b: {  	[sflag:s18] =	ssyncadd.s32 $0xFFFFC000  }
0x6c: {  	[tilespmem:s21], [sflag:$0x2] =	stream.indirect.gather [hbm4b:s4+s20], $0x80, s23, s20, $0xb8;
	[tilespmem:$0x1E800] =	vst v63  }
0x6d: {  	_ = 	snop  }
0x6e: {  	[spmem:s2] =	stream.indirect.scatter.add.f32 [tilespmem:s16], [sflag:$0x3], $0x80, s24, s20, $0xb8;
	[tilespmem:$0x1E800] =	vst v63  }
0x6f: {  	_ =	swait.ge [sflag:s22], $0x4000  }
0x70: {  	[sflag:s22] =	ssyncset.done $0x0  }
0x71: {  	[sflag:s22] =	ssyncadd.s32 $0xFFFFC000  }
0x72: {  	_ =	swait.ge [sflag:s19], $0x4000  }
0x73: {  	[sflag:s19] =	ssyncset.done $0x0  }
0x74: {  	[sflag:s19] =	ssyncadd.s32 $0xFFFFC000  }
0x75: {  	[spmem:s2] =	stream.indirect.scatter.add.f32 [tilespmem:s21], [sflag:$0x3], $0x80, s25, s20, $0xb8;
	[tilespmem:$0x1E800] =	vst v63  }
0x76: {  	_ =	swait.ge [sflag:s22], $0x4000  }
0x77: {  	[sflag:s22] =	ssyncset.done $0x0  }
0x78: {  	s26 =	simm.s32 $0x0;
	[sflag:s22] =	ssyncadd.s32 $0xFFFFC000  }
0x79: {  	[tilespmem:s26], [sflag:$0x3] =	stream.linear.gather [hbm4b:s12+s26], $0x1400, $0x38;
	[tilespmem:$0x1E800] =	vst v63  }
0x7a: {  	_ =	swait.ge [sflag:s22], $0x1400  }
0x7b: {  	[sflag:s22] =	ssyncset.done $0x0  }
0x7c: {  	[sflag:s22] =	ssyncadd.s32 $0xFFFFEC00  }
0x7d: {  	[tilespmem:s17], [sflag:$0x3] =	stream.linear.gather [hbm4b:s13+s26], $0x1400, $0x38;
	[tilespmem:$0x1E800] =	vst v63  }
0x7e: {  	_ =	swait.ge [sflag:s22], $0x1400  }
0x7f: {  	[sflag:s22] =	ssyncset.done $0x0  }
0x80: {  	[sflag:s22] =	ssyncadd.s32 $0xFFFFEC00  }
0x81: {  	[tilespmem:s16], [sflag:$0x1] =	stream.indirect.gather [hbm4b:s4+s20], $0x80, s26, s20, $0xb8;
	[tilespmem:$0x1E800] =	vst v63  }
0x82: {  	_ =	swait.ge [sflag:s18], $0x4000  }
0x83: {  	[sflag:s18] =	ssyncset.done $0x0  }
0x84: {  	s28 =	simm.s32 $0x80;
	[sflag:s18] =	ssyncadd.s32 $0xFFFFC000  }
0x85: {  	[tilespmem:s21], [sflag:$0x2] =	stream.indirect.gather [hbm4b:s4+s20], $0x80, s28, s20, $0xb8;
	[tilespmem:$0x1E800] =	vst v63  }
0x86: {  	s29 =	simm.s32 $0x1400  }
0x87: {  	[spmem:s2] =	stream.indirect.scatter.add.f32 [tilespmem:s16], [sflag:$0x3], $0x80, s29, s20, $0xb8;
	[tilespmem:$0x1E800] =	vst v63  }
0x88: {  	_ =	swait.ge [sflag:s22], $0x4000  }
0x89: {  	[sflag:s22] =	ssyncset.done $0x0  }
0x8a: {  	s30 =	simm.s32 $0x100;
	[sflag:s22] =	ssyncadd.s32 $0xFFFFC000  }
0x8b: {  	[tilespmem:s16], [sflag:$0x1] =	stream.indirect.gather [hbm4b:s4+s20], $0x80, s30, s20, $0xb8;
	[tilespmem:$0x1E800] =	vst v63  }
0x8c: {  	_ =	swait.ge [sflag:s19], $0x4000  }
0x8d: {  	[sflag:s19] =	ssyncset.done $0x0  }
0x8e: {  	s31 =	simm.s32 $0x1480;
	[sflag:s19] =	ssyncadd.s32 $0xFFFFC000  }
0x8f: {  	[spmem:s2] =	stream.indirect.scatter.add.f32 [tilespmem:s21], [sflag:$0x3], $0x80, s31, s20, $0xb8;
	[tilespmem:$0x1E800] =	vst v63  }
0x90: {  	_ =	swait.ge [sflag:s22], $0x4000  }
0x91: {  	s26 =	simm.s32 $0x400;
	[sflag:s22] =	ssyncset.done $0x0  }
.LBB2_6:
0x92: {  	p0 =	sne.s32 s26, $0x4800  }
0x93: {  	[sflag:s22] =	ssyncadd.s32 $0xFFFFC000;
	s28 =	smov.u32 s26;
	s26 =	sadd.s32 $0x400, s26  }
0x94: {  	_ =	swait.ge [sflag:s18], $0x4000  }
0x95: {  	s28 =	sshra.s32 s28, $0x2;
	[sflag:s18] =	ssyncset.done $0x0  }
0x96: {  	s29 =	sadd.s32 $0x80, s28;
	[sflag:s18] =	ssyncadd.s32 $0xFFFFC000  }
0x97: {  	[tilespmem:s21], [sflag:$0x2] =	stream.indirect.gather [hbm4b:s4+s20], $0x80, s29, s20, $0xb8;
	[tilespmem:$0x1E800] =	vst v63  }
0x98: {  	s29 =	sadd.s32 $0x1400, s28  }
0x99: {  	[spmem:s2] =	stream.indirect.scatter.add.f32 [tilespmem:s16], [sflag:$0x3], $0x80, s29, s20, $0xb8;
	[tilespmem:$0x1E800] =	vst v63  }
0x9a: {  	_ =	swait.ge [sflag:s22], $0x4000  }
0x9b: {  	[sflag:s22] =	ssyncset.done $0x0  }
0x9c: {  	s29 =	sadd.s32 $0x100, s28;
	[sflag:s22] =	ssyncadd.s32 $0xFFFFC000  }
0x9d: {  	[tilespmem:s16], [sflag:$0x1] =	stream.indirect.gather [hbm4b:s4+s20], $0x80, s29, s20, $0xb8;
	[tilespmem:$0x1E800] =	vst v63  }
0x9e: {  	_ =	swait.ge [sflag:s19], $0x4000  }
.Ltmp2:
0x9f: {  	[sflag:s19] =	ssyncset.done $0x0;
	(pc) =	sbr.rel @p0 .LBB2_6-.Ltmp2, $4  }
0xa0: {  	s28 =	sadd.s32 $0x1480, s28;
	[sflag:s19] =	ssyncadd.s32 $0xFFFFC000  }
0xa1: {  	[spmem:s2] =	stream.indirect.scatter.add.f32 [tilespmem:s21], [sflag:$0x3], $0x80, s28, s20, $0xb8;
	[tilespmem:$0x1E800] =	vst v63  }
0xa2: {  	_ =	swait.ge [sflag:s22], $0x4000  }
0xa3: {  	[sflag:s22] =	ssyncset.done $0x0  }
0xa4: {  	[sflag:s22] =	ssyncadd.s32 $0xFFFFC000  }
0xa5: {  	_ =	swait.ge [sflag:s18], $0x4000  }
0xa6: {  	[sflag:s18] =	ssyncset.done $0x0  }
0xa7: {  	[sflag:s18] =	ssyncadd.s32 $0xFFFFC000  }
0xa8: {  	[tilespmem:s21], [sflag:$0x2] =	stream.indirect.gather [hbm4b:s4+s20], $0x80, s23, s20, $0xb8;
	[tilespmem:$0x1E800] =	vst v63  }
0xa9: {  	_ = 	snop  }
0xaa: {  	[spmem:s2] =	stream.indirect.scatter.add.f32 [tilespmem:s16], [sflag:$0x3], $0x80, s24, s20, $0xb8;
	[tilespmem:$0x1E800] =	vst v63  }
0xab: {  	_ =	swait.ge [sflag:s22], $0x4000  }
0xac: {  	[sflag:s22] =	ssyncset.done $0x0  }
0xad: {  	[sflag:s22] =	ssyncadd.s32 $0xFFFFC000  }
0xae: {  	_ =	swait.ge [sflag:s19], $0x4000  }
0xaf: {  	[sflag:s19] =	ssyncset.done $0x0  }
0xb0: {  	[sflag:s19] =	ssyncadd.s32 $0xFFFFC000  }
0xb1: {  	[spmem:s2] =	stream.indirect.scatter.add.f32 [tilespmem:s21], [sflag:$0x3], $0x80, s25, s20, $0xb8;
	[tilespmem:$0x1E800] =	vst v63  }
0xb2: {  	_ =	swait.ge [sflag:s22], $0x4000  }
0xb3: {  	s26 =	sshll.u32 s0, $0x6;
	s3 =	sadd.s32 $0x1, s3;
	[sflag:s22] =	ssyncset.done $0x0  }
0xb4: {  	s28 =	sshrl.u32 s5, $0x3;
	p0 =	sne.s32 s3, s15;
	[sflag:s22] =	ssyncadd.s32 $0xFFFFC000  }
.Ltmp3:
0xb5: {  	s26 =	sor.u32 $0x1C03, s26;
	[bflag:$0x0] =	sbarrier.arrive $0xFFFF;
	(pc) =	sbr.rel @p0 .LBB2_1-.Ltmp3, $4  }
0xb6: {  	[hbm:s14], [sflag:s26] =	dma.local [spmem:s28], $0x2800  }
0xb7: {  	_ =	swait.ge [sflag:s22], $0x2800  }
0xb8: {  	[sflag:s22] =	ssyncset.done $0x0  }
0xb9: {  	[sflag:s22] =	ssyncadd.s32 $0xFFFFD800  }
0xba: {  	_ =	sfence.sel $0x180000  }
0xbb: {  	[bflag:$0x0] =	sbarrier.arrive $0xFFFF  }
0xbc: {  	p0 =	sne.s32 s0, $0x0;
	_ =	strace $0x9000004A  }
0xbd: {  	s0 =	sadd.s32 @!p0 $0x100000, s1;
	[bflag:$0x2] =	sbarrier.arrive $0xFFFF  }
0xbe: {  	[sflag:s0] =	ssyncadd.tile.s32 @!p0 $0x1;
	_ =	shalt  }
.Lfunc_end2:
_tile_overlayer_lowered:
.L_overlay_start_2:
0xbf: {  	(tag) =	ssettag $0x2  }
0xc0: {  	s0 =	rddreg [dreg:$0x0];
	s2 =	stileid.u32  }
0xc1: {  	s1 =	rddreg [dreg:$0x1];
	p0 =	sne.s32 s2, $0x0  }
0xc2: {  	s3 =	rddreg [dreg:$0x2];
	[bflag:$0x3] =	sbarrier.arrive $0xFFFF;
	s2 =	simm.s32 @!p0 $0x1C03  }
0xc3: {  	[timem:s3], [sflag:s2] =	dma.local @!p0 [hbm:s0], s1  }
0xc4: {  	s0 =	simm.s32 @!p0 $0x3  }
0xc5: {  	_ =	swait.ge @!p0 [sflag:s0], s1  }
0xc6: {  	s1 =	ssub.s32 @!p0 $0x0, s1;
	[sflag:s0] =	ssyncset.done @!p0 $0x0  }
0xc7: {  	[sflag:s0] =	ssyncadd.s32 @!p0 s1  }
0xc8: {  	[bflag:$0x3] =	sbarrier.arrive $0xFFFF  }
0xc9: {  	_ =	shalt  }

</sc_bundles>
